<compile_context>
chip_gen: v7x
topology: tpu7x:2x2x1
jax: 0.10.2.dev20260603
libtpu: 0.0.44.dev20260713+nightly
codegen_flags: <defaults>
</compile_context>

<pallas_src>
import functools

import jax
import jax.numpy as jnp
from jax import lax
from jax.experimental import pallas as pl
from jax.experimental.pallas import tpu as pltpu
from jax.experimental.pallas import tpu_sc as plsc

NUM_LOC = 10000
NUM_CAT = 512
NUM_EDGES = 320000
LOC_DIM = 128
CAT_DIM = 128

NC = 2
NS = 16
NW = NC * NS
CHUNK = 125
EDGES_PER_W = NUM_EDGES // NW
NCHUNK = EDGES_PER_W // CHUNK
NBUF = 6
ZROWS = NUM_CAT // NS

_sc_mesh = plsc.VectorSubcoreMesh(core_axis_name="c", subcore_axis_name="s",
                                  num_cores=NC, num_subcores=NS)


@functools.partial(
    pl.kernel,
    out_type=jax.ShapeDtypeStruct((NC, NUM_CAT, LOC_DIM), jnp.float32),
    mesh=_sc_mesh,
    scratch_types=[
        pltpu.VMEM_SHARED((NUM_CAT, LOC_DIM), jnp.float32),
        pltpu.VMEM((NCHUNK, CHUNK), jnp.int32),
        pltpu.VMEM((NCHUNK, CHUNK), jnp.int32),
        [pltpu.VMEM((CHUNK, LOC_DIM), jnp.float32) for _ in range(NBUF)],
        [pltpu.SemaphoreType.DMA for _ in range(NBUF)],
        pltpu.SemaphoreType.DMA,
        pltpu.SemaphoreType.DMA,
    ],
)
def _sc_agg(loc_hbm, src_hbm, dst_hbm, zeros_hbm, out_hbm,
            agg_sh, src_v, dst_v, bufs, gsems, sem_s, sem_d):
    c = lax.axis_index("c")
    s = lax.axis_index("s")
    wid = c * NS + s

    pltpu.async_copy(src_hbm.at[wid], src_v, sem_s)
    pltpu.async_copy(dst_hbm.at[wid], dst_v, sem_d)
    pltpu.make_async_copy(src_hbm.at[wid], src_v, sem_s).wait()

    for p in range(NBUF - 1):
        pltpu.async_copy(loc_hbm.at[src_v.at[p]], bufs[p], gsems[p])

    pltpu.sync_copy(zeros_hbm, agg_sh.at[pl.ds(s * ZROWS, ZROWS)])
    pltpu.make_async_copy(dst_hbm.at[wid], dst_v, sem_d).wait()
    plsc.subcore_barrier()


    def body(j, _):
        for p in range(NBUF):
            i = j * NBUF + p
            pltpu.make_async_copy(loc_hbm.at[src_v.at[i]], bufs[p],
                                  gsems[p]).wait()
            pltpu.sync_copy(bufs[p], agg_sh.at[dst_v.at[i]], add=True)

            @pl.when(i + NBUF - 1 < NCHUNK)
            def _():
                q = (p + NBUF - 1) % NBUF
                pltpu.async_copy(loc_hbm.at[src_v.at[i + NBUF - 1]],
                                 bufs[q], gsems[q])
        return 0

    lax.fori_loop(0, NCHUNK // NBUF, body, 0)
    for i in range(NCHUNK - NCHUNK % NBUF, NCHUNK):
        p = i % NBUF
        pltpu.make_async_copy(loc_hbm.at[src_v.at[i]], bufs[p],
                              gsems[p]).wait()
        pltpu.sync_copy(bufs[p], agg_sh.at[dst_v.at[i]], add=True)

    plsc.subcore_barrier()
    pltpu.sync_copy(agg_sh.at[pl.ds(s * ZROWS, ZROWS)],
                    out_hbm.at[c, pl.ds(s * ZROWS, ZROWS)])


def _tc_linear_body(p_ref, w_ref, b_ref, o_ref):
    acc = p_ref[0] + p_ref[1]
    x = lax.dot_general(acc, w_ref[...], (((1,), (1,)), ((), ())),
                        preferred_element_type=jnp.float32)
    x = x + b_ref[...]
    o_ref[...] = jnp.where(x > 0, x, 0.2 * x)


_tc_linear = pl.pallas_call(
    _tc_linear_body,
    out_shape=jax.ShapeDtypeStruct((NUM_CAT, CAT_DIM), jnp.float32),
)


def kernel(loc_emb, edge_src, edge_dst, W, b):
    src3 = edge_src.astype(jnp.int32).reshape(NW, NCHUNK, CHUNK)
    dst3 = edge_dst.astype(jnp.int32).reshape(NW, NCHUNK, CHUNK)
    zeros = jnp.zeros((ZROWS, LOC_DIM), jnp.float32)
    partials = _sc_agg(loc_emb, src3, dst3, zeros)
    return _tc_linear(partials, W, b.reshape(1, CAT_DIM))

# --- scband reference (transcript-rebuilt; emitter-appended) ---
"""Pipeline reference for scband-hier-tree-73212012528277 (READ-ONLY COPY).

The authoritative reference and input builder live on the scoring server;
editing this copy changes nothing except your own understanding.
"""

import jax, jax.numpy as jnp
import numpy as np

NUM_LOC = 10000
NUM_CAT = 512
NUM_EDGES = 320000
LOC_DIM = 128
CAT_DIM = 128


def setup_inputs(seed: int = 0) -> dict:
    key = jax.random.key(seed)
    k1, k2, k3, k4 = jax.random.split(key, 4)
    loc_emb = jax.random.normal(k1, (NUM_LOC, LOC_DIM), dtype=jnp.float32)
    edge_src = jax.random.randint(k2, (NUM_EDGES,), 0, NUM_LOC)
    edge_dst = jax.random.randint(k3, (NUM_EDGES,), 0, NUM_CAT)
    # loc_to_cat Linear params, matching init_weights: uniform(-0.1, 0.1) weight, zero bias
    W = jax.random.uniform(k4, (CAT_DIM, LOC_DIM), minval=-0.1, maxval=0.1, dtype=jnp.float32)
    b = jnp.zeros((CAT_DIM,), dtype=jnp.float32)
    return {"loc_emb": loc_emb, "edge_src": edge_src, "edge_dst": edge_dst, "W": W, "b": b}


def reference(loc_emb, edge_src, edge_dst, W, b):
    # DGL multi_update_all with (copy_u('f','m'), sum('m','in')) over loc->cat edges:
    # gather source (loc) features per edge, scatter-add into destination (cat) nodes.
    msgs = jnp.take(loc_emb, edge_src, axis=0)  # [E, loc_dim]
    agg = jax.ops.segment_sum(msgs, edge_dst, num_segments=NUM_CAT)  # [num_cat, loc_dim]
    # cat_emb = LeakyReLU(0.2)(loc_to_cat(in))
    x = agg @ W.T + b
    cat_emb = jnp.where(x > 0, x, 0.2 * x)
    return cat_emb

if __name__ == "__main__":
    import jax
    _d = setup_inputs()
    print(jax.jit(kernel)(*tuple(_d.values())))

</pallas_src>

<mosaic_0001>
#map = affine_map<(d0, d1) -> (0, 0)>
#map1 = affine_map<(d0, d1) -> (0, 0, 0)>
module attributes {stable_mosaic.version = 14 : i64} {
  func.func @_sc_agg(%arg0: i32, %arg1: i32, %arg2: memref<10000x128xf32, #tpu.memory_space<hbm>>, %arg3: memref<32x80x125xi32, #tpu.memory_space<hbm>>, %arg4: memref<32x80x125xi32, #tpu.memory_space<hbm>>, %arg5: memref<32x128xf32, #tpu.memory_space<hbm>>, %arg6: memref<2x512x128xf32, #tpu.memory_space<hbm>>, %arg7: memref<512x128xf32, #tpu.memory_space<vmem_shared>>, %arg8: memref<80x125xi32, #tpu.memory_space<vmem>>, %arg9: memref<80x125xi32, #tpu.memory_space<vmem>>, %arg10: memref<125x128xf32, #tpu.memory_space<vmem>>, %arg11: memref<125x128xf32, #tpu.memory_space<vmem>>, %arg12: memref<125x128xf32, #tpu.memory_space<vmem>>, %arg13: memref<125x128xf32, #tpu.memory_space<vmem>>, %arg14: memref<125x128xf32, #tpu.memory_space<vmem>>, %arg15: memref<125x128xf32, #tpu.memory_space<vmem>>, %arg16: memref<!tpu.dma_semaphore, #tpu.memory_space<semaphore_mem>>, %arg17: memref<!tpu.dma_semaphore, #tpu.memory_space<semaphore_mem>>, %arg18: memref<!tpu.dma_semaphore, #tpu.memory_space<semaphore_mem>>, %arg19: memref<!tpu.dma_semaphore, #tpu.memory_space<semaphore_mem>>, %arg20: memref<!tpu.dma_semaphore, #tpu.memory_space<semaphore_mem>>, %arg21: memref<!tpu.dma_semaphore, #tpu.memory_space<semaphore_mem>>, %arg22: memref<!tpu.dma_semaphore, #tpu.memory_space<semaphore_mem>>, %arg23: memref<!tpu.dma_semaphore, #tpu.memory_space<semaphore_mem>>) attributes {dimension_semantics = [#tpu.dimension_semantics<core_parallel>, #tpu.dimension_semantics<subcore_parallel>], iteration_bounds = array<i64: 2, 16>, scalar_prefetch = 0 : i64, scratch_operands = 17 : i64, tpu.core_type = #tpu.core_type<sc_vector_subcore>, window_params = [{transform_indices = #map}, {transform_indices = #map1}, {transform_indices = #map1}, {transform_indices = #map}, {transform_indices = #map1}]} {
    %mul3A = arith.constant 16 : i32
    %mul3A_0 = arith.muli %arg0, %mul3A : i32
    %add3A = arith.addi %mul3A_0, %arg1 : i32
    %dma_start3A = arith.constant 0 : i32
    %dma_start3A_1 = arith.constant 0 : i32
    %dma_start3A_2 = tpu.memref_slice %arg3[%add3A, %dma_start3A, %dma_start3A_1] : memref<32x80x125xi32, #tpu.memory_space<hbm>> -> memref<1x80x125xi32, #tpu.memory_space<hbm>>
    %dma_start3A_3 = tpu.memref_squeeze %dma_start3A_2 : memref<1x80x125xi32, #tpu.memory_space<hbm>> -> memref<80x125xi32, #tpu.memory_space<hbm>>
    %dma_start3A_4 = arith.constant 0 : i32
    %dma_start3A_5 = arith.constant 0 : i32
    %dma_start3A_6 = tpu.memref_slice %arg3[%add3A, %dma_start3A_4, %dma_start3A_5] : memref<32x80x125xi32, #tpu.memory_space<hbm>> -> memref<1x80x125xi32, #tpu.memory_space<hbm>>
    %dma_start3A_7 = tpu.memref_squeeze %dma_start3A_6 : memref<1x80x125xi32, #tpu.memory_space<hbm>> -> memref<80x125xi32, #tpu.memory_space<hbm>>
    tpu.enqueue_dma source(%dma_start3A_7 : memref<80x125xi32, #tpu.memory_space<hbm>>) target(%arg8 : memref<80x125xi32, #tpu.memory_space<vmem>>) target_semaphore(%arg22 : memref<!tpu.dma_semaphore, #tpu.memory_space<semaphore_mem>>)
    %dma_start3A_8 = arith.constant 0 : i32
    %dma_start3A_9 = arith.constant 0 : i32
    %dma_start3A_10 = tpu.memref_slice %arg4[%add3A, %dma_start3A_8, %dma_start3A_9] : memref<32x80x125xi32, #tpu.memory_space<hbm>> -> memref<1x80x125xi32, #tpu.memory_space<hbm>>
    %dma_start3A_11 = tpu.memref_squeeze %dma_start3A_10 : memref<1x80x125xi32, #tpu.memory_space<hbm>> -> memref<80x125xi32, #tpu.memory_space<hbm>>
    %dma_start3A_12 = arith.constant 0 : i32
    %dma_start3A_13 = arith.constant 0 : i32
    %dma_start3A_14 = tpu.memref_slice %arg4[%add3A, %dma_start3A_12, %dma_start3A_13] : memref<32x80x125xi32, #tpu.memory_space<hbm>> -> memref<1x80x125xi32, #tpu.memory_space<hbm>>
    %dma_start3A_15 = tpu.memref_squeeze %dma_start3A_14 : memref<1x80x125xi32, #tpu.memory_space<hbm>> -> memref<80x125xi32, #tpu.memory_space<hbm>>
    tpu.enqueue_dma source(%dma_start3A_15 : memref<80x125xi32, #tpu.memory_space<hbm>>) target(%arg9 : memref<80x125xi32, #tpu.memory_space<vmem>>) target_semaphore(%arg23 : memref<!tpu.dma_semaphore, #tpu.memory_space<semaphore_mem>>)
    %dma_wait3A = arith.constant 0 : i32
    %dma_wait3A_16 = arith.constant 0 : i32
    %dma_wait3A_17 = tpu.memref_slice %arg3[%add3A, %dma_wait3A, %dma_wait3A_16] : memref<32x80x125xi32, #tpu.memory_space<hbm>> -> memref<1x80x125xi32, #tpu.memory_space<hbm>>
    %dma_wait3A_18 = tpu.memref_squeeze %dma_wait3A_17 : memref<1x80x125xi32, #tpu.memory_space<hbm>> -> memref<80x125xi32, #tpu.memory_space<hbm>>
    %dma_wait3A_19 = arith.constant 0 : i32
    %dma_wait3A_20 = arith.constant 0 : i32
    %dma_wait3A_21 = tpu.memref_slice %arg3[%add3A, %dma_wait3A_19, %dma_wait3A_20] : memref<32x80x125xi32, #tpu.memory_space<hbm>> -> memref<1x80x125xi32, #tpu.memory_space<hbm>>
    %dma_wait3A_22 = tpu.memref_squeeze %dma_wait3A_21 : memref<1x80x125xi32, #tpu.memory_space<hbm>> -> memref<80x125xi32, #tpu.memory_space<hbm>>
    tpu.wait_dma2 semaphore(%arg22 : memref<!tpu.dma_semaphore, #tpu.memory_space<semaphore_mem>>) src(%dma_wait3A_22 : memref<80x125xi32, #tpu.memory_space<hbm>>) dst(%arg8 : memref<80x125xi32, #tpu.memory_space<vmem>>)
    %dma_start3A_23 = arith.constant 0 : i32
    %dma_start3A_24 = arith.constant 0 : i32
    %dma_start3A_25 = tpu.memref_slice %arg8[%dma_start3A_23, %dma_start3A_24] : memref<80x125xi32, #tpu.memory_space<vmem>> -> memref<1x125xi32, #tpu.memory_space<vmem>>
    %dma_start3A_26 = tpu.memref_squeeze %dma_start3A_25 : memref<1x125xi32, #tpu.memory_space<vmem>> -> memref<125xi32, #tpu.memory_space<vmem>>
    %dma_start3A_27 = arith.constant 0 : i32
    %dma_start3A_28 = arith.constant 0 : i32
    %dma_start3A_29 = tpu.memref_slice %arg2[%dma_start3A_27, %dma_start3A_28] : memref<10000x128xf32, #tpu.memory_space<hbm>> -> memref<10000x128xf32, #tpu.memory_space<hbm>>
    tpu.enqueue_indirect_dma source(%dma_start3A_29 : memref<10000x128xf32, #tpu.memory_space<hbm>>) target(%arg10 : memref<125x128xf32, #tpu.memory_space<vmem>>) offsets(%dma_start3A_26 : memref<125xi32, #tpu.memory_space<vmem>>) semaphore(%arg16 : memref<!tpu.dma_semaphore, #tpu.memory_space<semaphore_mem>>)
    %dma_start3A_30 = arith.constant 1 : i32
    %dma_start3A_31 = arith.constant 0 : i32
    %dma_start3A_32 = tpu.memref_slice %arg8[%dma_start3A_30, %dma_start3A_31] : memref<80x125xi32, #tpu.memory_space<vmem>> -> memref<1x125xi32, #tpu.memory_space<vmem>>
    %dma_start3A_33 = tpu.memref_squeeze %dma_start3A_32 : memref<1x125xi32, #tpu.memory_space<vmem>> -> memref<125xi32, #tpu.memory_space<vmem>>
    %dma_start3A_34 = arith.constant 0 : i32
    %dma_start3A_35 = arith.constant 0 : i32
    %dma_start3A_36 = tpu.memref_slice %arg2[%dma_start3A_34, %dma_start3A_35] : memref<10000x128xf32, #tpu.memory_space<hbm>> -> memref<10000x128xf32, #tpu.memory_space<hbm>>
    tpu.enqueue_indirect_dma source(%dma_start3A_36 : memref<10000x128xf32, #tpu.memory_space<hbm>>) target(%arg11 : memref<125x128xf32, #tpu.memory_space<vmem>>) offsets(%dma_start3A_33 : memref<125xi32, #tpu.memory_space<vmem>>) semaphore(%arg17 : memref<!tpu.dma_semaphore, #tpu.memory_space<semaphore_mem>>)
    %dma_start3A_37 = arith.constant 2 : i32
    %dma_start3A_38 = arith.constant 0 : i32
    %dma_start3A_39 = tpu.memref_slice %arg8[%dma_start3A_37, %dma_start3A_38] : memref<80x125xi32, #tpu.memory_space<vmem>> -> memref<1x125xi32, #tpu.memory_space<vmem>>
    %dma_start3A_40 = tpu.memref_squeeze %dma_start3A_39 : memref<1x125xi32, #tpu.memory_space<vmem>> -> memref<125xi32, #tpu.memory_space<vmem>>
    %dma_start3A_41 = arith.constant 0 : i32
    %dma_start3A_42 = arith.constant 0 : i32
    %dma_start3A_43 = tpu.memref_slice %arg2[%dma_start3A_41, %dma_start3A_42] : memref<10000x128xf32, #tpu.memory_space<hbm>> -> memref<10000x128xf32, #tpu.memory_space<hbm>>
    tpu.enqueue_indirect_dma source(%dma_start3A_43 : memref<10000x128xf32, #tpu.memory_space<hbm>>) target(%arg12 : memref<125x128xf32, #tpu.memory_space<vmem>>) offsets(%dma_start3A_40 : memref<125xi32, #tpu.memory_space<vmem>>) semaphore(%arg18 : memref<!tpu.dma_semaphore, #tpu.memory_space<semaphore_mem>>)
    %dma_start3A_44 = arith.constant 3 : i32
    %dma_start3A_45 = arith.constant 0 : i32
    %dma_start3A_46 = tpu.memref_slice %arg8[%dma_start3A_44, %dma_start3A_45] : memref<80x125xi32, #tpu.memory_space<vmem>> -> memref<1x125xi32, #tpu.memory_space<vmem>>
    %dma_start3A_47 = tpu.memref_squeeze %dma_start3A_46 : memref<1x125xi32, #tpu.memory_space<vmem>> -> memref<125xi32, #tpu.memory_space<vmem>>
    %dma_start3A_48 = arith.constant 0 : i32
    %dma_start3A_49 = arith.constant 0 : i32
    %dma_start3A_50 = tpu.memref_slice %arg2[%dma_start3A_48, %dma_start3A_49] : memref<10000x128xf32, #tpu.memory_space<hbm>> -> memref<10000x128xf32, #tpu.memory_space<hbm>>
    tpu.enqueue_indirect_dma source(%dma_start3A_50 : memref<10000x128xf32, #tpu.memory_space<hbm>>) target(%arg13 : memref<125x128xf32, #tpu.memory_space<vmem>>) offsets(%dma_start3A_47 : memref<125xi32, #tpu.memory_space<vmem>>) semaphore(%arg19 : memref<!tpu.dma_semaphore, #tpu.memory_space<semaphore_mem>>)
    %dma_start3A_51 = arith.constant 4 : i32
    %dma_start3A_52 = arith.constant 0 : i32
    %dma_start3A_53 = tpu.memref_slice %arg8[%dma_start3A_51, %dma_start3A_52] : memref<80x125xi32, #tpu.memory_space<vmem>> -> memref<1x125xi32, #tpu.memory_space<vmem>>
    %dma_start3A_54 = tpu.memref_squeeze %dma_start3A_53 : memref<1x125xi32, #tpu.memory_space<vmem>> -> memref<125xi32, #tpu.memory_space<vmem>>
    %dma_start3A_55 = arith.constant 0 : i32
    %dma_start3A_56 = arith.constant 0 : i32
    %dma_start3A_57 = tpu.memref_slice %arg2[%dma_start3A_55, %dma_start3A_56] : memref<10000x128xf32, #tpu.memory_space<hbm>> -> memref<10000x128xf32, #tpu.memory_space<hbm>>
    tpu.enqueue_indirect_dma source(%dma_start3A_57 : memref<10000x128xf32, #tpu.memory_space<hbm>>) target(%arg14 : memref<125x128xf32, #tpu.memory_space<vmem>>) offsets(%dma_start3A_54 : memref<125xi32, #tpu.memory_space<vmem>>) semaphore(%arg20 : memref<!tpu.dma_semaphore, #tpu.memory_space<semaphore_mem>>)
    %mul3A_58 = arith.constant 32 : i32
    %mul3A_59 = arith.muli %arg1, %mul3A_58 : i32
    "tpu.region"() ({
      %run_scoped3A_94 = tpu.sem_alloc : memref<!tpu.dma_semaphore, #tpu.memory_space<semaphore_mem>>
      %dma_start3A_95 = arith.constant 0 : i32
      %dma_start3A_96 = tpu.memref_slice %arg7[%mul3A_59, %dma_start3A_95] : memref<512x128xf32, #tpu.memory_space<vmem_shared>> -> memref<32x128xf32, #tpu.memory_space<vmem_shared>>
      tpu.enqueue_dma source(%arg5 : memref<32x128xf32, #tpu.memory_space<hbm>>) target(%dma_start3A_96 : memref<32x128xf32, #tpu.memory_space<vmem_shared>>) target_semaphore(%run_scoped3A_94 : memref<!tpu.dma_semaphore, #tpu.memory_space<semaphore_mem>>)
      %dma_wait3A_97 = arith.constant 0 : i32
      %dma_wait3A_98 = tpu.memref_slice %arg7[%mul3A_59, %dma_wait3A_97] : memref<512x128xf32, #tpu.memory_space<vmem_shared>> -> memref<32x128xf32, #tpu.memory_space<vmem_shared>>
      tpu.wait_dma2 semaphore(%run_scoped3A_94 : memref<!tpu.dma_semaphore, #tpu.memory_space<semaphore_mem>>) src(%arg5 : memref<32x128xf32, #tpu.memory_space<hbm>>) dst(%dma_wait3A_98 : memref<32x128xf32, #tpu.memory_space<vmem_shared>>)
      tpu.yield
    }) : () -> ()
    %dma_wait3A_60 = arith.constant 0 : i32
    %dma_wait3A_61 = arith.constant 0 : i32
    %dma_wait3A_62 = tpu.memref_slice %arg4[%add3A, %dma_wait3A_60, %dma_wait3A_61] : memref<32x80x125xi32, #tpu.memory_space<hbm>> -> memref<1x80x125xi32, #tpu.memory_space<hbm>>
    %dma_wait3A_63 = tpu.memref_squeeze %dma_wait3A_62 : memref<1x80x125xi32, #tpu.memory_space<hbm>> -> memref<80x125xi32, #tpu.memory_space<hbm>>
    %dma_wait3A_64 = arith.constant 0 : i32
    %dma_wait3A_65 = arith.constant 0 : i32
    %dma_wait3A_66 = tpu.memref_slice %arg4[%add3A, %dma_wait3A_64, %dma_wait3A_65] : memref<32x80x125xi32, #tpu.memory_space<hbm>> -> memref<1x80x125xi32, #tpu.memory_space<hbm>>
    %dma_wait3A_67 = tpu.memref_squeeze %dma_wait3A_66 : memref<1x80x125xi32, #tpu.memory_space<hbm>> -> memref<80x125xi32, #tpu.memory_space<hbm>>
    tpu.wait_dma2 semaphore(%arg23 : memref<!tpu.dma_semaphore, #tpu.memory_space<semaphore_mem>>) src(%dma_wait3A_67 : memref<80x125xi32, #tpu.memory_space<hbm>>) dst(%arg9 : memref<80x125xi32, #tpu.memory_space<vmem>>)
    %barrier3A = arith.constant 0 : index
    tpu.barrier barrier_id(%barrier3A)
    %scan3A = arith.constant 0 : i32
    %scan3A_68 = arith.constant 0 : i32
    %scan3A_69 = arith.constant 13 : i32
    %scan3A_70 = arith.addi %scan3A_68, %scan3A_69 : i32
    %scan3A_71 = arith.constant 1 : i32
    %scan3A_72 = scf.for %scan3A_94 = %scan3A_68 to %scan3A_70 step %scan3A_71 iter_args(%scan3A_95 = %scan3A) -> (i32)  : i32 {
      %mul3A_96 = arith.constant 6 : i32
      %mul3A_97 = arith.muli %scan3A_94, %mul3A_96 : i32
      %add3A_98 = arith.constant 0 : i32
      %add3A_99 = arith.addi %mul3A_97, %add3A_98 : i32
      %dma_wait3A_100 = arith.constant 0 : i32
      %dma_wait3A_101 = tpu.memref_slice %arg8[%add3A_99, %dma_wait3A_100] : memref<80x125xi32, #tpu.memory_space<vmem>> -> memref<1x125xi32, #tpu.memory_space<vmem>>
      %dma_wait3A_102 = tpu.memref_squeeze %dma_wait3A_101 : memref<1x125xi32, #tpu.memory_space<vmem>> -> memref<125xi32, #tpu.memory_space<vmem>>
      %dma_wait3A_103 = arith.constant 0 : i32
      %dma_wait3A_104 = arith.constant 0 : i32
      %dma_wait3A_105 = tpu.memref_slice %arg2[%dma_wait3A_103, %dma_wait3A_104] : memref<10000x128xf32, #tpu.memory_space<hbm>> -> memref<10000x128xf32, #tpu.memory_space<hbm>>
      tpu.wait_indirect_dma semaphore(%arg16 : memref<!tpu.dma_semaphore, #tpu.memory_space<semaphore_mem>>) src(%dma_wait3A_105 : memref<10000x128xf32, #tpu.memory_space<hbm>>) dst(%arg10 : memref<125x128xf32, #tpu.memory_space<vmem>>)
      "tpu.region"() ({
        %run_scoped3A_207 = tpu.sem_alloc : memref<!tpu.dma_semaphore, #tpu.memory_space<semaphore_mem>>
        %dma_start3A_208 = arith.constant 0 : i32
        %dma_start3A_209 = tpu.memref_slice %arg9[%add3A_99, %dma_start3A_208] : memref<80x125xi32, #tpu.memory_space<vmem>> -> memref<1x125xi32, #tpu.memory_space<vmem>>
        %dma_start3A_210 = tpu.memref_squeeze %dma_start3A_209 : memref<1x125xi32, #tpu.memory_space<vmem>> -> memref<125xi32, #tpu.memory_space<vmem>>
        %dma_start3A_211 = arith.constant 0 : i32
        %dma_start3A_212 = arith.constant 0 : i32
        %dma_start3A_213 = tpu.memref_slice %arg7[%dma_start3A_211, %dma_start3A_212] : memref<512x128xf32, #tpu.memory_space<vmem_shared>> -> memref<512x128xf32, #tpu.memory_space<vmem_shared>>
        tpu.enqueue_indirect_dma source(%arg10 : memref<125x128xf32, #tpu.memory_space<vmem>>) target(%dma_start3A_213 : memref<512x128xf32, #tpu.memory_space<vmem_shared>>) offsets(%dma_start3A_210 : memref<125xi32, #tpu.memory_space<vmem>>) semaphore(%run_scoped3A_207 : memref<!tpu.dma_semaphore, #tpu.memory_space<semaphore_mem>>) {add = true}
        %dma_wait3A_214 = arith.constant 0 : i32
        %dma_wait3A_215 = tpu.memref_slice %arg9[%add3A_99, %dma_wait3A_214] : memref<80x125xi32, #tpu.memory_space<vmem>> -> memref<1x125xi32, #tpu.memory_space<vmem>>
        %dma_wait3A_216 = tpu.memref_squeeze %dma_wait3A_215 : memref<1x125xi32, #tpu.memory_space<vmem>> -> memref<125xi32, #tpu.memory_space<vmem>>
        %dma_wait3A_217 = arith.constant 0 : i32
        %dma_wait3A_218 = arith.constant 0 : i32
        %dma_wait3A_219 = tpu.memref_slice %arg7[%dma_wait3A_217, %dma_wait3A_218] : memref<512x128xf32, #tpu.memory_space<vmem_shared>> -> memref<512x128xf32, #tpu.memory_space<vmem_shared>>
        tpu.wait_indirect_dma semaphore(%run_scoped3A_207 : memref<!tpu.dma_semaphore, #tpu.memory_space<semaphore_mem>>) src(%arg10 : memref<125x128xf32, #tpu.memory_space<vmem>>) dst(%dma_wait3A_219 : memref<512x128xf32, #tpu.memory_space<vmem_shared>>)
        tpu.yield
      }) : () -> ()
      %add3A_106 = arith.constant 6 : i32
      %add3A_107 = arith.addi %add3A_99, %add3A_106 : i32
      %sub3A = arith.constant 1 : i32
      %sub3A_108 = arith.subi %add3A_107, %sub3A : i32
      %lt3A = arith.constant 80 : i32
      %lt3A_109 = arith.cmpi slt, %sub3A_108, %lt3A : i32
      %convert_element_type3A = arith.extui %lt3A_109 : i1 to i32
      %cond3A = arith.constant 0 : i32
      %cond3A_110 = arith.cmpi ne, %convert_element_type3A, %cond3A : i32
      scf.if %cond3A_110 {
        %add3A_207 = arith.constant 6 : i32
        %add3A_208 = arith.addi %add3A_99, %add3A_207 : i32
        %sub3A_209 = arith.constant 1 : i32
        %sub3A_210 = arith.subi %add3A_208, %sub3A_209 : i32
        %dma_start3A_211 = arith.constant 0 : i32
        %dma_start3A_212 = tpu.memref_slice %arg8[%sub3A_210, %dma_start3A_211] : memref<80x125xi32, #tpu.memory_space<vmem>> -> memref<1x125xi32, #tpu.memory_space<vmem>>
        %dma_start3A_213 = tpu.memref_squeeze %dma_start3A_212 : memref<1x125xi32, #tpu.memory_space<vmem>> -> memref<125xi32, #tpu.memory_space<vmem>>
        %dma_start3A_214 = arith.constant 0 : i32
        %dma_start3A_215 = arith.constant 0 : i32
        %dma_start3A_216 = tpu.memref_slice %arg2[%dma_start3A_214, %dma_start3A_215] : memref<10000x128xf32, #tpu.memory_space<hbm>> -> memref<10000x128xf32, #tpu.memory_space<hbm>>
        tpu.enqueue_indirect_dma source(%dma_start3A_216 : memref<10000x128xf32, #tpu.memory_space<hbm>>) target(%arg15 : memref<125x128xf32, #tpu.memory_space<vmem>>) offsets(%dma_start3A_213 : memref<125xi32, #tpu.memory_space<vmem>>) semaphore(%arg21 : memref<!tpu.dma_semaphore, #tpu.memory_space<semaphore_mem>>)
      } else {
      }
      %mul3A_111 = arith.constant 6 : i32
      %mul3A_112 = arith.muli %scan3A_94, %mul3A_111 : i32
      %add3A_113 = arith.constant 1 : i32
      %add3A_114 = arith.addi %mul3A_112, %add3A_113 : i32
      %dma_wait3A_115 = arith.constant 0 : i32
      %dma_wait3A_116 = tpu.memref_slice %arg8[%add3A_114, %dma_wait3A_115] : memref<80x125xi32, #tpu.memory_space<vmem>> -> memref<1x125xi32, #tpu.memory_space<vmem>>
      %dma_wait3A_117 = tpu.memref_squeeze %dma_wait3A_116 : memref<1x125xi32, #tpu.memory_space<vmem>> -> memref<125xi32, #tpu.memory_space<vmem>>
      %dma_wait3A_118 = arith.constant 0 : i32
      %dma_wait3A_119 = arith.constant 0 : i32
      %dma_wait3A_120 = tpu.memref_slice %arg2[%dma_wait3A_118, %dma_wait3A_119] : memref<10000x128xf32, #tpu.memory_space<hbm>> -> memref<10000x128xf32, #tpu.memory_space<hbm>>
      tpu.wait_indirect_dma semaphore(%arg17 : memref<!tpu.dma_semaphore, #tpu.memory_space<semaphore_mem>>) src(%dma_wait3A_120 : memref<10000x128xf32, #tpu.memory_space<hbm>>) dst(%arg11 : memref<125x128xf32, #tpu.memory_space<vmem>>)
      "tpu.region"() ({
        %run_scoped3A_207 = tpu.sem_alloc : memref<!tpu.dma_semaphore, #tpu.memory_space<semaphore_mem>>
        %dma_start3A_208 = arith.constant 0 : i32
        %dma_start3A_209 = tpu.memref_slice %arg9[%add3A_114, %dma_start3A_208] : memref<80x125xi32, #tpu.memory_space<vmem>> -> memref<1x125xi32, #tpu.memory_space<vmem>>
        %dma_start3A_210 = tpu.memref_squeeze %dma_start3A_209 : memref<1x125xi32, #tpu.memory_space<vmem>> -> memref<125xi32, #tpu.memory_space<vmem>>
        %dma_start3A_211 = arith.constant 0 : i32
        %dma_start3A_212 = arith.constant 0 : i32
        %dma_start3A_213 = tpu.memref_slice %arg7[%dma_start3A_211, %dma_start3A_212] : memref<512x128xf32, #tpu.memory_space<vmem_shared>> -> memref<512x128xf32, #tpu.memory_space<vmem_shared>>
        tpu.enqueue_indirect_dma source(%arg11 : memref<125x128xf32, #tpu.memory_space<vmem>>) target(%dma_start3A_213 : memref<512x128xf32, #tpu.memory_space<vmem_shared>>) offsets(%dma_start3A_210 : memref<125xi32, #tpu.memory_space<vmem>>) semaphore(%run_scoped3A_207 : memref<!tpu.dma_semaphore, #tpu.memory_space<semaphore_mem>>) {add = true}
        %dma_wait3A_214 = arith.constant 0 : i32
        %dma_wait3A_215 = tpu.memref_slice %arg9[%add3A_114, %dma_wait3A_214] : memref<80x125xi32, #tpu.memory_space<vmem>> -> memref<1x125xi32, #tpu.memory_space<vmem>>
        %dma_wait3A_216 = tpu.memref_squeeze %dma_wait3A_215 : memref<1x125xi32, #tpu.memory_space<vmem>> -> memref<125xi32, #tpu.memory_space<vmem>>
        %dma_wait3A_217 = arith.constant 0 : i32
        %dma_wait3A_218 = arith.constant 0 : i32
        %dma_wait3A_219 = tpu.memref_slice %arg7[%dma_wait3A_217, %dma_wait3A_218] : memref<512x128xf32, #tpu.memory_space<vmem_shared>> -> memref<512x128xf32, #tpu.memory_space<vmem_shared>>
        tpu.wait_indirect_dma semaphore(%run_scoped3A_207 : memref<!tpu.dma_semaphore, #tpu.memory_space<semaphore_mem>>) src(%arg11 : memref<125x128xf32, #tpu.memory_space<vmem>>) dst(%dma_wait3A_219 : memref<512x128xf32, #tpu.memory_space<vmem_shared>>)
        tpu.yield
      }) : () -> ()
      %add3A_121 = arith.constant 6 : i32
      %add3A_122 = arith.addi %add3A_114, %add3A_121 : i32
      %sub3A_123 = arith.constant 1 : i32
      %sub3A_124 = arith.subi %add3A_122, %sub3A_123 : i32
      %lt3A_125 = arith.constant 80 : i32
      %lt3A_126 = arith.cmpi slt, %sub3A_124, %lt3A_125 : i32
      %convert_element_type3A_127 = arith.extui %lt3A_126 : i1 to i32
      %cond3A_128 = arith.constant 0 : i32
      %cond3A_129 = arith.cmpi ne, %convert_element_type3A_127, %cond3A_128 : i32
      scf.if %cond3A_129 {
        %add3A_207 = arith.constant 6 : i32
        %add3A_208 = arith.addi %add3A_114, %add3A_207 : i32
        %sub3A_209 = arith.constant 1 : i32
        %sub3A_210 = arith.subi %add3A_208, %sub3A_209 : i32
        %dma_start3A_211 = arith.constant 0 : i32
        %dma_start3A_212 = tpu.memref_slice %arg8[%sub3A_210, %dma_start3A_211] : memref<80x125xi32, #tpu.memory_space<vmem>> -> memref<1x125xi32, #tpu.memory_space<vmem>>
        %dma_start3A_213 = tpu.memref_squeeze %dma_start3A_212 : memref<1x125xi32, #tpu.memory_space<vmem>> -> memref<125xi32, #tpu.memory_space<vmem>>
        %dma_start3A_214 = arith.constant 0 : i32
        %dma_start3A_215 = arith.constant 0 : i32
        %dma_start3A_216 = tpu.memref_slice %arg2[%dma_start3A_214, %dma_start3A_215] : memref<10000x128xf32, #tpu.memory_space<hbm>> -> memref<10000x128xf32, #tpu.memory_space<hbm>>
        tpu.enqueue_indirect_dma source(%dma_start3A_216 : memref<10000x128xf32, #tpu.memory_space<hbm>>) target(%arg10 : memref<125x128xf32, #tpu.memory_space<vmem>>) offsets(%dma_start3A_213 : memref<125xi32, #tpu.memory_space<vmem>>) semaphore(%arg16 : memref<!tpu.dma_semaphore, #tpu.memory_space<semaphore_mem>>)
      } else {
      }
      %mul3A_130 = arith.constant 6 : i32
      %mul3A_131 = arith.muli %scan3A_94, %mul3A_130 : i32
      %add3A_132 = arith.constant 2 : i32
      %add3A_133 = arith.addi %mul3A_131, %add3A_132 : i32
      %dma_wait3A_134 = arith.constant 0 : i32
      %dma_wait3A_135 = tpu.memref_slice %arg8[%add3A_133, %dma_wait3A_134] : memref<80x125xi32, #tpu.memory_space<vmem>> -> memref<1x125xi32, #tpu.memory_space<vmem>>
      %dma_wait3A_136 = tpu.memref_squeeze %dma_wait3A_135 : memref<1x125xi32, #tpu.memory_space<vmem>> -> memref<125xi32, #tpu.memory_space<vmem>>
      %dma_wait3A_137 = arith.constant 0 : i32
      %dma_wait3A_138 = arith.constant 0 : i32
      %dma_wait3A_139 = tpu.memref_slice %arg2[%dma_wait3A_137, %dma_wait3A_138] : memref<10000x128xf32, #tpu.memory_space<hbm>> -> memref<10000x128xf32, #tpu.memory_space<hbm>>
      tpu.wait_indirect_dma semaphore(%arg18 : memref<!tpu.dma_semaphore, #tpu.memory_space<semaphore_mem>>) src(%dma_wait3A_139 : memref<10000x128xf32, #tpu.memory_space<hbm>>) dst(%arg12 : memref<125x128xf32, #tpu.memory_space<vmem>>)
      "tpu.region"() ({
        %run_scoped3A_207 = tpu.sem_alloc : memref<!tpu.dma_semaphore, #tpu.memory_space<semaphore_mem>>
        %dma_start3A_208 = arith.constant 0 : i32
        %dma_start3A_209 = tpu.memref_slice %arg9[%add3A_133, %dma_start3A_208] : memref<80x125xi32, #tpu.memory_space<vmem>> -> memref<1x125xi32, #tpu.memory_space<vmem>>
        %dma_start3A_210 = tpu.memref_squeeze %dma_start3A_209 : memref<1x125xi32, #tpu.memory_space<vmem>> -> memref<125xi32, #tpu.memory_space<vmem>>
        %dma_start3A_211 = arith.constant 0 : i32
        %dma_start3A_212 = arith.constant 0 : i32
        %dma_start3A_213 = tpu.memref_slice %arg7[%dma_start3A_211, %dma_start3A_212] : memref<512x128xf32, #tpu.memory_space<vmem_shared>> -> memref<512x128xf32, #tpu.memory_space<vmem_shared>>
        tpu.enqueue_indirect_dma source(%arg12 : memref<125x128xf32, #tpu.memory_space<vmem>>) target(%dma_start3A_213 : memref<512x128xf32, #tpu.memory_space<vmem_shared>>) offsets(%dma_start3A_210 : memref<125xi32, #tpu.memory_space<vmem>>) semaphore(%run_scoped3A_207 : memref<!tpu.dma_semaphore, #tpu.memory_space<semaphore_mem>>) {add = true}
        %dma_wait3A_214 = arith.constant 0 : i32
        %dma_wait3A_215 = tpu.memref_slice %arg9[%add3A_133, %dma_wait3A_214] : memref<80x125xi32, #tpu.memory_space<vmem>> -> memref<1x125xi32, #tpu.memory_space<vmem>>
        %dma_wait3A_216 = tpu.memref_squeeze %dma_wait3A_215 : memref<1x125xi32, #tpu.memory_space<vmem>> -> memref<125xi32, #tpu.memory_space<vmem>>
        %dma_wait3A_217 = arith.constant 0 : i32
        %dma_wait3A_218 = arith.constant 0 : i32
        %dma_wait3A_219 = tpu.memref_slice %arg7[%dma_wait3A_217, %dma_wait3A_218] : memref<512x128xf32, #tpu.memory_space<vmem_shared>> -> memref<512x128xf32, #tpu.memory_space<vmem_shared>>
        tpu.wait_indirect_dma semaphore(%run_scoped3A_207 : memref<!tpu.dma_semaphore, #tpu.memory_space<semaphore_mem>>) src(%arg12 : memref<125x128xf32, #tpu.memory_space<vmem>>) dst(%dma_wait3A_219 : memref<512x128xf32, #tpu.memory_space<vmem_shared>>)
        tpu.yield
      }) : () -> ()
      %add3A_140 = arith.constant 6 : i32
      %add3A_141 = arith.addi %add3A_133, %add3A_140 : i32
      %sub3A_142 = arith.constant 1 : i32
      %sub3A_143 = arith.subi %add3A_141, %sub3A_142 : i32
      %lt3A_144 = arith.constant 80 : i32
      %lt3A_145 = arith.cmpi slt, %sub3A_143, %lt3A_144 : i32
      %convert_element_type3A_146 = arith.extui %lt3A_145 : i1 to i32
      %cond3A_147 = arith.constant 0 : i32
      %cond3A_148 = arith.cmpi ne, %convert_element_type3A_146, %cond3A_147 : i32
      scf.if %cond3A_148 {
        %add3A_207 = arith.constant 6 : i32
        %add3A_208 = arith.addi %add3A_133, %add3A_207 : i32
        %sub3A_209 = arith.constant 1 : i32
        %sub3A_210 = arith.subi %add3A_208, %sub3A_209 : i32
        %dma_start3A_211 = arith.constant 0 : i32
        %dma_start3A_212 = tpu.memref_slice %arg8[%sub3A_210, %dma_start3A_211] : memref<80x125xi32, #tpu.memory_space<vmem>> -> memref<1x125xi32, #tpu.memory_space<vmem>>
        %dma_start3A_213 = tpu.memref_squeeze %dma_start3A_212 : memref<1x125xi32, #tpu.memory_space<vmem>> -> memref<125xi32, #tpu.memory_space<vmem>>
        %dma_start3A_214 = arith.constant 0 : i32
        %dma_start3A_215 = arith.constant 0 : i32
        %dma_start3A_216 = tpu.memref_slice %arg2[%dma_start3A_214, %dma_start3A_215] : memref<10000x128xf32, #tpu.memory_space<hbm>> -> memref<10000x128xf32, #tpu.memory_space<hbm>>
        tpu.enqueue_indirect_dma source(%dma_start3A_216 : memref<10000x128xf32, #tpu.memory_space<hbm>>) target(%arg11 : memref<125x128xf32, #tpu.memory_space<vmem>>) offsets(%dma_start3A_213 : memref<125xi32, #tpu.memory_space<vmem>>) semaphore(%arg17 : memref<!tpu.dma_semaphore, #tpu.memory_space<semaphore_mem>>)
      } else {
      }
      %mul3A_149 = arith.constant 6 : i32
      %mul3A_150 = arith.muli %scan3A_94, %mul3A_149 : i32
      %add3A_151 = arith.constant 3 : i32
      %add3A_152 = arith.addi %mul3A_150, %add3A_151 : i32
      %dma_wait3A_153 = arith.constant 0 : i32
      %dma_wait3A_154 = tpu.memref_slice %arg8[%add3A_152, %dma_wait3A_153] : memref<80x125xi32, #tpu.memory_space<vmem>> -> memref<1x125xi32, #tpu.memory_space<vmem>>
      %dma_wait3A_155 = tpu.memref_squeeze %dma_wait3A_154 : memref<1x125xi32, #tpu.memory_space<vmem>> -> memref<125xi32, #tpu.memory_space<vmem>>
      %dma_wait3A_156 = arith.constant 0 : i32
      %dma_wait3A_157 = arith.constant 0 : i32
      %dma_wait3A_158 = tpu.memref_slice %arg2[%dma_wait3A_156, %dma_wait3A_157] : memref<10000x128xf32, #tpu.memory_space<hbm>> -> memref<10000x128xf32, #tpu.memory_space<hbm>>
      tpu.wait_indirect_dma semaphore(%arg19 : memref<!tpu.dma_semaphore, #tpu.memory_space<semaphore_mem>>) src(%dma_wait3A_158 : memref<10000x128xf32, #tpu.memory_space<hbm>>) dst(%arg13 : memref<125x128xf32, #tpu.memory_space<vmem>>)
      "tpu.region"() ({
        %run_scoped3A_207 = tpu.sem_alloc : memref<!tpu.dma_semaphore, #tpu.memory_space<semaphore_mem>>
        %dma_start3A_208 = arith.constant 0 : i32
        %dma_start3A_209 = tpu.memref_slice %arg9[%add3A_152, %dma_start3A_208] : memref<80x125xi32, #tpu.memory_space<vmem>> -> memref<1x125xi32, #tpu.memory_space<vmem>>
        %dma_start3A_210 = tpu.memref_squeeze %dma_start3A_209 : memref<1x125xi32, #tpu.memory_space<vmem>> -> memref<125xi32, #tpu.memory_space<vmem>>
        %dma_start3A_211 = arith.constant 0 : i32
        %dma_start3A_212 = arith.constant 0 : i32
        %dma_start3A_213 = tpu.memref_slice %arg7[%dma_start3A_211, %dma_start3A_212] : memref<512x128xf32, #tpu.memory_space<vmem_shared>> -> memref<512x128xf32, #tpu.memory_space<vmem_shared>>
        tpu.enqueue_indirect_dma source(%arg13 : memref<125x128xf32, #tpu.memory_space<vmem>>) target(%dma_start3A_213 : memref<512x128xf32, #tpu.memory_space<vmem_shared>>) offsets(%dma_start3A_210 : memref<125xi32, #tpu.memory_space<vmem>>) semaphore(%run_scoped3A_207 : memref<!tpu.dma_semaphore, #tpu.memory_space<semaphore_mem>>) {add = true}
        %dma_wait3A_214 = arith.constant 0 : i32
        %dma_wait3A_215 = tpu.memref_slice %arg9[%add3A_152, %dma_wait3A_214] : memref<80x125xi32, #tpu.memory_space<vmem>> -> memref<1x125xi32, #tpu.memory_space<vmem>>
        %dma_wait3A_216 = tpu.memref_squeeze %dma_wait3A_215 : memref<1x125xi32, #tpu.memory_space<vmem>> -> memref<125xi32, #tpu.memory_space<vmem>>
        %dma_wait3A_217 = arith.constant 0 : i32
        %dma_wait3A_218 = arith.constant 0 : i32
        %dma_wait3A_219 = tpu.memref_slice %arg7[%dma_wait3A_217, %dma_wait3A_218] : memref<512x128xf32, #tpu.memory_space<vmem_shared>> -> memref<512x128xf32, #tpu.memory_space<vmem_shared>>
        tpu.wait_indirect_dma semaphore(%run_scoped3A_207 : memref<!tpu.dma_semaphore, #tpu.memory_space<semaphore_mem>>) src(%arg13 : memref<125x128xf32, #tpu.memory_space<vmem>>) dst(%dma_wait3A_219 : memref<512x128xf32, #tpu.memory_space<vmem_shared>>)
        tpu.yield
      }) : () -> ()
      %add3A_159 = arith.constant 6 : i32
      %add3A_160 = arith.addi %add3A_152, %add3A_159 : i32
      %sub3A_161 = arith.constant 1 : i32
      %sub3A_162 = arith.subi %add3A_160, %sub3A_161 : i32
      %lt3A_163 = arith.constant 80 : i32
      %lt3A_164 = arith.cmpi slt, %sub3A_162, %lt3A_163 : i32
      %convert_element_type3A_165 = arith.extui %lt3A_164 : i1 to i32
      %cond3A_166 = arith.constant 0 : i32
      %cond3A_167 = arith.cmpi ne, %convert_element_type3A_165, %cond3A_166 : i32
      scf.if %cond3A_167 {
        %add3A_207 = arith.constant 6 : i32
        %add3A_208 = arith.addi %add3A_152, %add3A_207 : i32
        %sub3A_209 = arith.constant 1 : i32
        %sub3A_210 = arith.subi %add3A_208, %sub3A_209 : i32
        %dma_start3A_211 = arith.constant 0 : i32
        %dma_start3A_212 = tpu.memref_slice %arg8[%sub3A_210, %dma_start3A_211] : memref<80x125xi32, #tpu.memory_space<vmem>> -> memref<1x125xi32, #tpu.memory_space<vmem>>
        %dma_start3A_213 = tpu.memref_squeeze %dma_start3A_212 : memref<1x125xi32, #tpu.memory_space<vmem>> -> memref<125xi32, #tpu.memory_space<vmem>>
        %dma_start3A_214 = arith.constant 0 : i32
        %dma_start3A_215 = arith.constant 0 : i32
        %dma_start3A_216 = tpu.memref_slice %arg2[%dma_start3A_214, %dma_start3A_215] : memref<10000x128xf32, #tpu.memory_space<hbm>> -> memref<10000x128xf32, #tpu.memory_space<hbm>>
        tpu.enqueue_indirect_dma source(%dma_start3A_216 : memref<10000x128xf32, #tpu.memory_space<hbm>>) target(%arg12 : memref<125x128xf32, #tpu.memory_space<vmem>>) offsets(%dma_start3A_213 : memref<125xi32, #tpu.memory_space<vmem>>) semaphore(%arg18 : memref<!tpu.dma_semaphore, #tpu.memory_space<semaphore_mem>>)
      } else {
      }
      %mul3A_168 = arith.constant 6 : i32
      %mul3A_169 = arith.muli %scan3A_94, %mul3A_168 : i32
      %add3A_170 = arith.constant 4 : i32
      %add3A_171 = arith.addi %mul3A_169, %add3A_170 : i32
      %dma_wait3A_172 = arith.constant 0 : i32
      %dma_wait3A_173 = tpu.memref_slice %arg8[%add3A_171, %dma_wait3A_172] : memref<80x125xi32, #tpu.memory_space<vmem>> -> memref<1x125xi32, #tpu.memory_space<vmem>>
      %dma_wait3A_174 = tpu.memref_squeeze %dma_wait3A_173 : memref<1x125xi32, #tpu.memory_space<vmem>> -> memref<125xi32, #tpu.memory_space<vmem>>
      %dma_wait3A_175 = arith.constant 0 : i32
      %dma_wait3A_176 = arith.constant 0 : i32
      %dma_wait3A_177 = tpu.memref_slice %arg2[%dma_wait3A_175, %dma_wait3A_176] : memref<10000x128xf32, #tpu.memory_space<hbm>> -> memref<10000x128xf32, #tpu.memory_space<hbm>>
      tpu.wait_indirect_dma semaphore(%arg20 : memref<!tpu.dma_semaphore, #tpu.memory_space<semaphore_mem>>) src(%dma_wait3A_177 : memref<10000x128xf32, #tpu.memory_space<hbm>>) dst(%arg14 : memref<125x128xf32, #tpu.memory_space<vmem>>)
      "tpu.region"() ({
        %run_scoped3A_207 = tpu.sem_alloc : memref<!tpu.dma_semaphore, #tpu.memory_space<semaphore_mem>>
        %dma_start3A_208 = arith.constant 0 : i32
        %dma_start3A_209 = tpu.memref_slice %arg9[%add3A_171, %dma_start3A_208] : memref<80x125xi32, #tpu.memory_space<vmem>> -> memref<1x125xi32, #tpu.memory_space<vmem>>
        %dma_start3A_210 = tpu.memref_squeeze %dma_start3A_209 : memref<1x125xi32, #tpu.memory_space<vmem>> -> memref<125xi32, #tpu.memory_space<vmem>>
        %dma_start3A_211 = arith.constant 0 : i32
        %dma_start3A_212 = arith.constant 0 : i32
        %dma_start3A_213 = tpu.memref_slice %arg7[%dma_start3A_211, %dma_start3A_212] : memref<512x128xf32, #tpu.memory_space<vmem_shared>> -> memref<512x128xf32, #tpu.memory_space<vmem_shared>>
        tpu.enqueue_indirect_dma source(%arg14 : memref<125x128xf32, #tpu.memory_space<vmem>>) target(%dma_start3A_213 : memref<512x128xf32, #tpu.memory_space<vmem_shared>>) offsets(%dma_start3A_210 : memref<125xi32, #tpu.memory_space<vmem>>) semaphore(%run_scoped3A_207 : memref<!tpu.dma_semaphore, #tpu.memory_space<semaphore_mem>>) {add = true}
        %dma_wait3A_214 = arith.constant 0 : i32
        %dma_wait3A_215 = tpu.memref_slice %arg9[%add3A_171, %dma_wait3A_214] : memref<80x125xi32, #tpu.memory_space<vmem>> -> memref<1x125xi32, #tpu.memory_space<vmem>>
        %dma_wait3A_216 = tpu.memref_squeeze %dma_wait3A_215 : memref<1x125xi32, #tpu.memory_space<vmem>> -> memref<125xi32, #tpu.memory_space<vmem>>
        %dma_wait3A_217 = arith.constant 0 : i32
        %dma_wait3A_218 = arith.constant 0 : i32
        %dma_wait3A_219 = tpu.memref_slice %arg7[%dma_wait3A_217, %dma_wait3A_218] : memref<512x128xf32, #tpu.memory_space<vmem_shared>> -> memref<512x128xf32, #tpu.memory_space<vmem_shared>>
        tpu.wait_indirect_dma semaphore(%run_scoped3A_207 : memref<!tpu.dma_semaphore, #tpu.memory_space<semaphore_mem>>) src(%arg14 : memref<125x128xf32, #tpu.memory_space<vmem>>) dst(%dma_wait3A_219 : memref<512x128xf32, #tpu.memory_space<vmem_shared>>)
        tpu.yield
      }) : () -> ()
      %add3A_178 = arith.constant 6 : i32
      %add3A_179 = arith.addi %add3A_171, %add3A_178 : i32
      %sub3A_180 = arith.constant 1 : i32
      %sub3A_181 = arith.subi %add3A_179, %sub3A_180 : i32
      %lt3A_182 = arith.constant 80 : i32
      %lt3A_183 = arith.cmpi slt, %sub3A_181, %lt3A_182 : i32
      %convert_element_type3A_184 = arith.extui %lt3A_183 : i1 to i32
      %cond3A_185 = arith.constant 0 : i32
      %cond3A_186 = arith.cmpi ne, %convert_element_type3A_184, %cond3A_185 : i32
      scf.if %cond3A_186 {
        %add3A_207 = arith.constant 6 : i32
        %add3A_208 = arith.addi %add3A_171, %add3A_207 : i32
        %sub3A_209 = arith.constant 1 : i32
        %sub3A_210 = arith.subi %add3A_208, %sub3A_209 : i32
        %dma_start3A_211 = arith.constant 0 : i32
        %dma_start3A_212 = tpu.memref_slice %arg8[%sub3A_210, %dma_start3A_211] : memref<80x125xi32, #tpu.memory_space<vmem>> -> memref<1x125xi32, #tpu.memory_space<vmem>>
        %dma_start3A_213 = tpu.memref_squeeze %dma_start3A_212 : memref<1x125xi32, #tpu.memory_space<vmem>> -> memref<125xi32, #tpu.memory_space<vmem>>
        %dma_start3A_214 = arith.constant 0 : i32
        %dma_start3A_215 = arith.constant 0 : i32
        %dma_start3A_216 = tpu.memref_slice %arg2[%dma_start3A_214, %dma_start3A_215] : memref<10000x128xf32, #tpu.memory_space<hbm>> -> memref<10000x128xf32, #tpu.memory_space<hbm>>
        tpu.enqueue_indirect_dma source(%dma_start3A_216 : memref<10000x128xf32, #tpu.memory_space<hbm>>) target(%arg13 : memref<125x128xf32, #tpu.memory_space<vmem>>) offsets(%dma_start3A_213 : memref<125xi32, #tpu.memory_space<vmem>>) semaphore(%arg19 : memref<!tpu.dma_semaphore, #tpu.memory_space<semaphore_mem>>)
      } else {
      }
      %mul3A_187 = arith.constant 6 : i32
      %mul3A_188 = arith.muli %scan3A_94, %mul3A_187 : i32
      %add3A_189 = arith.constant 5 : i32
      %add3A_190 = arith.addi %mul3A_188, %add3A_189 : i32
      %dma_wait3A_191 = arith.constant 0 : i32
      %dma_wait3A_192 = tpu.memref_slice %arg8[%add3A_190, %dma_wait3A_191] : memref<80x125xi32, #tpu.memory_space<vmem>> -> memref<1x125xi32, #tpu.memory_space<vmem>>
      %dma_wait3A_193 = tpu.memref_squeeze %dma_wait3A_192 : memref<1x125xi32, #tpu.memory_space<vmem>> -> memref<125xi32, #tpu.memory_space<vmem>>
      %dma_wait3A_194 = arith.constant 0 : i32
      %dma_wait3A_195 = arith.constant 0 : i32
      %dma_wait3A_196 = tpu.memref_slice %arg2[%dma_wait3A_194, %dma_wait3A_195] : memref<10000x128xf32, #tpu.memory_space<hbm>> -> memref<10000x128xf32, #tpu.memory_space<hbm>>
      tpu.wait_indirect_dma semaphore(%arg21 : memref<!tpu.dma_semaphore, #tpu.memory_space<semaphore_mem>>) src(%dma_wait3A_196 : memref<10000x128xf32, #tpu.memory_space<hbm>>) dst(%arg15 : memref<125x128xf32, #tpu.memory_space<vmem>>)
      "tpu.region"() ({
        %run_scoped3A_207 = tpu.sem_alloc : memref<!tpu.dma_semaphore, #tpu.memory_space<semaphore_mem>>
        %dma_start3A_208 = arith.constant 0 : i32
        %dma_start3A_209 = tpu.memref_slice %arg9[%add3A_190, %dma_start3A_208] : memref<80x125xi32, #tpu.memory_space<vmem>> -> memref<1x125xi32, #tpu.memory_space<vmem>>
        %dma_start3A_210 = tpu.memref_squeeze %dma_start3A_209 : memref<1x125xi32, #tpu.memory_space<vmem>> -> memref<125xi32, #tpu.memory_space<vmem>>
        %dma_start3A_211 = arith.constant 0 : i32
        %dma_start3A_212 = arith.constant 0 : i32
        %dma_start3A_213 = tpu.memref_slice %arg7[%dma_start3A_211, %dma_start3A_212] : memref<512x128xf32, #tpu.memory_space<vmem_shared>> -> memref<512x128xf32, #tpu.memory_space<vmem_shared>>
        tpu.enqueue_indirect_dma source(%arg15 : memref<125x128xf32, #tpu.memory_space<vmem>>) target(%dma_start3A_213 : memref<512x128xf32, #tpu.memory_space<vmem_shared>>) offsets(%dma_start3A_210 : memref<125xi32, #tpu.memory_space<vmem>>) semaphore(%run_scoped3A_207 : memref<!tpu.dma_semaphore, #tpu.memory_space<semaphore_mem>>) {add = true}
        %dma_wait3A_214 = arith.constant 0 : i32
        %dma_wait3A_215 = tpu.memref_slice %arg9[%add3A_190, %dma_wait3A_214] : memref<80x125xi32, #tpu.memory_space<vmem>> -> memref<1x125xi32, #tpu.memory_space<vmem>>
        %dma_wait3A_216 = tpu.memref_squeeze %dma_wait3A_215 : memref<1x125xi32, #tpu.memory_space<vmem>> -> memref<125xi32, #tpu.memory_space<vmem>>
        %dma_wait3A_217 = arith.constant 0 : i32
        %dma_wait3A_218 = arith.constant 0 : i32
        %dma_wait3A_219 = tpu.memref_slice %arg7[%dma_wait3A_217, %dma_wait3A_218] : memref<512x128xf32, #tpu.memory_space<vmem_shared>> -> memref<512x128xf32, #tpu.memory_space<vmem_shared>>
        tpu.wait_indirect_dma semaphore(%run_scoped3A_207 : memref<!tpu.dma_semaphore, #tpu.memory_space<semaphore_mem>>) src(%arg15 : memref<125x128xf32, #tpu.memory_space<vmem>>) dst(%dma_wait3A_219 : memref<512x128xf32, #tpu.memory_space<vmem_shared>>)
        tpu.yield
      }) : () -> ()
      %add3A_197 = arith.constant 6 : i32
      %add3A_198 = arith.addi %add3A_190, %add3A_197 : i32
      %sub3A_199 = arith.constant 1 : i32
      %sub3A_200 = arith.subi %add3A_198, %sub3A_199 : i32
      %lt3A_201 = arith.constant 80 : i32
      %lt3A_202 = arith.cmpi slt, %sub3A_200, %lt3A_201 : i32
      %convert_element_type3A_203 = arith.extui %lt3A_202 : i1 to i32
      %cond3A_204 = arith.constant 0 : i32
      %cond3A_205 = arith.cmpi ne, %convert_element_type3A_203, %cond3A_204 : i32
      scf.if %cond3A_205 {
        %add3A_207 = arith.constant 6 : i32
        %add3A_208 = arith.addi %add3A_190, %add3A_207 : i32
        %sub3A_209 = arith.constant 1 : i32
        %sub3A_210 = arith.subi %add3A_208, %sub3A_209 : i32
        %dma_start3A_211 = arith.constant 0 : i32
        %dma_start3A_212 = tpu.memref_slice %arg8[%sub3A_210, %dma_start3A_211] : memref<80x125xi32, #tpu.memory_space<vmem>> -> memref<1x125xi32, #tpu.memory_space<vmem>>
        %dma_start3A_213 = tpu.memref_squeeze %dma_start3A_212 : memref<1x125xi32, #tpu.memory_space<vmem>> -> memref<125xi32, #tpu.memory_space<vmem>>
        %dma_start3A_214 = arith.constant 0 : i32
        %dma_start3A_215 = arith.constant 0 : i32
        %dma_start3A_216 = tpu.memref_slice %arg2[%dma_start3A_214, %dma_start3A_215] : memref<10000x128xf32, #tpu.memory_space<hbm>> -> memref<10000x128xf32, #tpu.memory_space<hbm>>
        tpu.enqueue_indirect_dma source(%dma_start3A_216 : memref<10000x128xf32, #tpu.memory_space<hbm>>) target(%arg14 : memref<125x128xf32, #tpu.memory_space<vmem>>) offsets(%dma_start3A_213 : memref<125xi32, #tpu.memory_space<vmem>>) semaphore(%arg20 : memref<!tpu.dma_semaphore, #tpu.memory_space<semaphore_mem>>)
      } else {
      }
      %scan3A_206 = arith.constant 0 : i32
      scf.yield %scan3A_206 : i32
    }
    %scan3A_73 = arith.constant 13 : i32
    %dma_wait3A_74 = arith.constant 78 : i32
    %dma_wait3A_75 = arith.constant 0 : i32
    %dma_wait3A_76 = tpu.memref_slice %arg8[%dma_wait3A_74, %dma_wait3A_75] : memref<80x125xi32, #tpu.memory_space<vmem>> -> memref<1x125xi32, #tpu.memory_space<vmem>>
    %dma_wait3A_77 = tpu.memref_squeeze %dma_wait3A_76 : memref<1x125xi32, #tpu.memory_space<vmem>> -> memref<125xi32, #tpu.memory_space<vmem>>
    %dma_wait3A_78 = arith.constant 0 : i32
    %dma_wait3A_79 = arith.constant 0 : i32
    %dma_wait3A_80 = tpu.memref_slice %arg2[%dma_wait3A_78, %dma_wait3A_79] : memref<10000x128xf32, #tpu.memory_space<hbm>> -> memref<10000x128xf32, #tpu.memory_space<hbm>>
    tpu.wait_indirect_dma semaphore(%arg16 : memref<!tpu.dma_semaphore, #tpu.memory_space<semaphore_mem>>) src(%dma_wait3A_80 : memref<10000x128xf32, #tpu.memory_space<hbm>>) dst(%arg10 : memref<125x128xf32, #tpu.memory_space<vmem>>)
    %run_scoped3A = arith.constant 78 : i32
    "tpu.region"() ({
      %run_scoped3A_94 = tpu.sem_alloc : memref<!tpu.dma_semaphore, #tpu.memory_space<semaphore_mem>>
      %dma_start3A_95 = arith.constant 0 : i32
      %dma_start3A_96 = tpu.memref_slice %arg9[%run_scoped3A, %dma_start3A_95] : memref<80x125xi32, #tpu.memory_space<vmem>> -> memref<1x125xi32, #tpu.memory_space<vmem>>
      %dma_start3A_97 = tpu.memref_squeeze %dma_start3A_96 : memref<1x125xi32, #tpu.memory_space<vmem>> -> memref<125xi32, #tpu.memory_space<vmem>>
      %dma_start3A_98 = arith.constant 0 : i32
      %dma_start3A_99 = arith.constant 0 : i32
      %dma_start3A_100 = tpu.memref_slice %arg7[%dma_start3A_98, %dma_start3A_99] : memref<512x128xf32, #tpu.memory_space<vmem_shared>> -> memref<512x128xf32, #tpu.memory_space<vmem_shared>>
      tpu.enqueue_indirect_dma source(%arg10 : memref<125x128xf32, #tpu.memory_space<vmem>>) target(%dma_start3A_100 : memref<512x128xf32, #tpu.memory_space<vmem_shared>>) offsets(%dma_start3A_97 : memref<125xi32, #tpu.memory_space<vmem>>) semaphore(%run_scoped3A_94 : memref<!tpu.dma_semaphore, #tpu.memory_space<semaphore_mem>>) {add = true}
      %dma_wait3A_101 = arith.constant 0 : i32
      %dma_wait3A_102 = tpu.memref_slice %arg9[%run_scoped3A, %dma_wait3A_101] : memref<80x125xi32, #tpu.memory_space<vmem>> -> memref<1x125xi32, #tpu.memory_space<vmem>>
      %dma_wait3A_103 = tpu.memref_squeeze %dma_wait3A_102 : memref<1x125xi32, #tpu.memory_space<vmem>> -> memref<125xi32, #tpu.memory_space<vmem>>
      %dma_wait3A_104 = arith.constant 0 : i32
      %dma_wait3A_105 = arith.constant 0 : i32
      %dma_wait3A_106 = tpu.memref_slice %arg7[%dma_wait3A_104, %dma_wait3A_105] : memref<512x128xf32, #tpu.memory_space<vmem_shared>> -> memref<512x128xf32, #tpu.memory_space<vmem_shared>>
      tpu.wait_indirect_dma semaphore(%run_scoped3A_94 : memref<!tpu.dma_semaphore, #tpu.memory_space<semaphore_mem>>) src(%arg10 : memref<125x128xf32, #tpu.memory_space<vmem>>) dst(%dma_wait3A_106 : memref<512x128xf32, #tpu.memory_space<vmem_shared>>)
      tpu.yield
    }) : () -> ()
    %dma_wait3A_81 = arith.constant 79 : i32
    %dma_wait3A_82 = arith.constant 0 : i32
    %dma_wait3A_83 = tpu.memref_slice %arg8[%dma_wait3A_81, %dma_wait3A_82] : memref<80x125xi32, #tpu.memory_space<vmem>> -> memref<1x125xi32, #tpu.memory_space<vmem>>
    %dma_wait3A_84 = tpu.memref_squeeze %dma_wait3A_83 : memref<1x125xi32, #tpu.memory_space<vmem>> -> memref<125xi32, #tpu.memory_space<vmem>>
    %dma_wait3A_85 = arith.constant 0 : i32
    %dma_wait3A_86 = arith.constant 0 : i32
    %dma_wait3A_87 = tpu.memref_slice %arg2[%dma_wait3A_85, %dma_wait3A_86] : memref<10000x128xf32, #tpu.memory_space<hbm>> -> memref<10000x128xf32, #tpu.memory_space<hbm>>
    tpu.wait_indirect_dma semaphore(%arg17 : memref<!tpu.dma_semaphore, #tpu.memory_space<semaphore_mem>>) src(%dma_wait3A_87 : memref<10000x128xf32, #tpu.memory_space<hbm>>) dst(%arg11 : memref<125x128xf32, #tpu.memory_space<vmem>>)
    %run_scoped3A_88 = arith.constant 79 : i32
    "tpu.region"() ({
      %run_scoped3A_94 = tpu.sem_alloc : memref<!tpu.dma_semaphore, #tpu.memory_space<semaphore_mem>>
      %dma_start3A_95 = arith.constant 0 : i32
      %dma_start3A_96 = tpu.memref_slice %arg9[%run_scoped3A_88, %dma_start3A_95] : memref<80x125xi32, #tpu.memory_space<vmem>> -> memref<1x125xi32, #tpu.memory_space<vmem>>
      %dma_start3A_97 = tpu.memref_squeeze %dma_start3A_96 : memref<1x125xi32, #tpu.memory_space<vmem>> -> memref<125xi32, #tpu.memory_space<vmem>>
      %dma_start3A_98 = arith.constant 0 : i32
      %dma_start3A_99 = arith.constant 0 : i32
      %dma_start3A_100 = tpu.memref_slice %arg7[%dma_start3A_98, %dma_start3A_99] : memref<512x128xf32, #tpu.memory_space<vmem_shared>> -> memref<512x128xf32, #tpu.memory_space<vmem_shared>>
      tpu.enqueue_indirect_dma source(%arg11 : memref<125x128xf32, #tpu.memory_space<vmem>>) target(%dma_start3A_100 : memref<512x128xf32, #tpu.memory_space<vmem_shared>>) offsets(%dma_start3A_97 : memref<125xi32, #tpu.memory_space<vmem>>) semaphore(%run_scoped3A_94 : memref<!tpu.dma_semaphore, #tpu.memory_space<semaphore_mem>>) {add = true}
      %dma_wait3A_101 = arith.constant 0 : i32
      %dma_wait3A_102 = tpu.memref_slice %arg9[%run_scoped3A_88, %dma_wait3A_101] : memref<80x125xi32, #tpu.memory_space<vmem>> -> memref<1x125xi32, #tpu.memory_space<vmem>>
      %dma_wait3A_103 = tpu.memref_squeeze %dma_wait3A_102 : memref<1x125xi32, #tpu.memory_space<vmem>> -> memref<125xi32, #tpu.memory_space<vmem>>
      %dma_wait3A_104 = arith.constant 0 : i32
      %dma_wait3A_105 = arith.constant 0 : i32
      %dma_wait3A_106 = tpu.memref_slice %arg7[%dma_wait3A_104, %dma_wait3A_105] : memref<512x128xf32, #tpu.memory_space<vmem_shared>> -> memref<512x128xf32, #tpu.memory_space<vmem_shared>>
      tpu.wait_indirect_dma semaphore(%run_scoped3A_94 : memref<!tpu.dma_semaphore, #tpu.memory_space<semaphore_mem>>) src(%arg11 : memref<125x128xf32, #tpu.memory_space<vmem>>) dst(%dma_wait3A_106 : memref<512x128xf32, #tpu.memory_space<vmem_shared>>)
      tpu.yield
    }) : () -> ()
    %barrier3A_89 = arith.constant 0 : index
    tpu.barrier barrier_id(%barrier3A_89)
    %mul3A_90 = arith.constant 32 : i32
    %mul3A_91 = arith.muli %arg1, %mul3A_90 : i32
    %mul3A_92 = arith.constant 32 : i32
    %mul3A_93 = arith.muli %arg1, %mul3A_92 : i32
    "tpu.region"() ({
      %run_scoped3A_94 = tpu.sem_alloc : memref<!tpu.dma_semaphore, #tpu.memory_space<semaphore_mem>>
      %dma_start3A_95 = arith.constant 0 : i32
      %dma_start3A_96 = tpu.memref_slice %arg6[%arg0, %mul3A_93, %dma_start3A_95] : memref<2x512x128xf32, #tpu.memory_space<hbm>> -> memref<1x32x128xf32, #tpu.memory_space<hbm>>
      %dma_start3A_97 = tpu.memref_squeeze %dma_start3A_96 : memref<1x32x128xf32, #tpu.memory_space<hbm>> -> memref<32x128xf32, #tpu.memory_space<hbm>>
      %dma_start3A_98 = arith.constant 0 : i32
      %dma_start3A_99 = tpu.memref_slice %arg7[%mul3A_91, %dma_start3A_98] : memref<512x128xf32, #tpu.memory_space<vmem_shared>> -> memref<32x128xf32, #tpu.memory_space<vmem_shared>>
      tpu.enqueue_dma source(%dma_start3A_99 : memref<32x128xf32, #tpu.memory_space<vmem_shared>>) target(%dma_start3A_97 : memref<32x128xf32, #tpu.memory_space<hbm>>) target_semaphore(%run_scoped3A_94 : memref<!tpu.dma_semaphore, #tpu.memory_space<semaphore_mem>>)
      %dma_wait3A_100 = arith.constant 0 : i32
      %dma_wait3A_101 = tpu.memref_slice %arg6[%arg0, %mul3A_93, %dma_wait3A_100] : memref<2x512x128xf32, #tpu.memory_space<hbm>> -> memref<1x32x128xf32, #tpu.memory_space<hbm>>
      %dma_wait3A_102 = tpu.memref_squeeze %dma_wait3A_101 : memref<1x32x128xf32, #tpu.memory_space<hbm>> -> memref<32x128xf32, #tpu.memory_space<hbm>>
      %dma_wait3A_103 = arith.constant 0 : i32
      %dma_wait3A_104 = tpu.memref_slice %arg7[%mul3A_91, %dma_wait3A_103] : memref<512x128xf32, #tpu.memory_space<vmem_shared>> -> memref<32x128xf32, #tpu.memory_space<vmem_shared>>
      tpu.wait_dma2 semaphore(%run_scoped3A_94 : memref<!tpu.dma_semaphore, #tpu.memory_space<semaphore_mem>>) src(%dma_wait3A_104 : memref<32x128xf32, #tpu.memory_space<vmem_shared>>) dst(%dma_wait3A_102 : memref<32x128xf32, #tpu.memory_space<hbm>>)
      tpu.yield
    }) : () -> ()
    return
  }
}

module attributes {stable_mosaic.version = 14 : i64} {
  func.func @_tc_linear_body(%arg0: memref<2x512x128xf32, #tpu.memory_space<vmem>>, %arg1: memref<128x128xf32, #tpu.memory_space<vmem>>, %arg2: memref<1x128xf32, #tpu.memory_space<vmem>>, %arg3: memref<512x128xf32, #tpu.memory_space<vmem>>) attributes {dimension_semantics = [], scalar_prefetch = 0 : i64, scratch_operands = 0 : i64, tpu.core_type = #tpu.core_type<tc>} {
    %get3A = arith.constant 0 : index
    %get3A_0 = arith.constant 0 : index
    %get3A_1 = arith.constant 0 : index
    %get3A_2 = vector.load %arg0[%get3A, %get3A_0, %get3A_1] : memref<2x512x128xf32, #tpu.memory_space<vmem>>, vector<1x512x128xf32>
    %get3A_3 = vector.shape_cast %get3A_2 : vector<1x512x128xf32> to vector<512x128xf32>
    %get3A_4 = arith.constant 1 : index
    %get3A_5 = arith.constant 0 : index
    %get3A_6 = arith.constant 0 : index
    %get3A_7 = vector.load %arg0[%get3A_4, %get3A_5, %get3A_6] : memref<2x512x128xf32, #tpu.memory_space<vmem>>, vector<1x512x128xf32>
    %get3A_8 = vector.shape_cast %get3A_7 : vector<1x512x128xf32> to vector<512x128xf32>
    %add3A = arith.addf %get3A_3, %get3A_8 : vector<512x128xf32>
    %get3A_9 = arith.constant 0 : index
    %get3A_10 = arith.constant 0 : index
    %get3A_11 = vector.load %arg1[%get3A_9, %get3A_10] : memref<128x128xf32, #tpu.memory_space<vmem>>, vector<128x128xf32>
    %dot_general3A = arith.constant dense<0.000000e+00> : vector<512x128xf32>
    %dot_general3A_12 = tpu.matmul %add3A, %get3A_11, %dot_general3A {dimension_numbers = #tpu.dot_dimension_numbers<[1], [1], [0], [0], [0, 0, 1, 0], [], []>, transpose_lhs_hint = false} : vector<512x128xf32>, vector<128x128xf32>, vector<512x128xf32> -> vector<512x128xf32>
    %get3A_13 = arith.constant 0 : index
    %get3A_14 = arith.constant 0 : index
    %get3A_15 = vector.load %arg2[%get3A_13, %get3A_14] : memref<1x128xf32, #tpu.memory_space<vmem>>, vector<1x128xf32>
    %add3A_16 = vector.broadcast %get3A_15 : vector<1x128xf32> to vector<512x128xf32>
    %add3A_17 = arith.addf %dot_general3A_12, %add3A_16 : vector<512x128xf32>
    %gt3A = arith.constant 0.000000e+00 : f32
    %gt3A_18 = vector.broadcast %gt3A : f32 to vector<512x128xf32>
    %gt3A_19 = arith.cmpf ogt, %add3A_17, %gt3A_18 : vector<512x128xf32>
    %mul3A = arith.constant 2.000000e-01 : f32
    %mul3A_20 = vector.broadcast %mul3A : f32 to vector<512x128xf32>
    %mul3A_21 = arith.mulf %mul3A_20, %add3A_17 : vector<512x128xf32>
    %select_n3A = arith.select %gt3A_19, %add3A_17, %mul3A_21 : vector<512x128xi1>, vector<512x128xf32>
    %swap3A = arith.constant 0 : index
    %swap3A_22 = arith.constant 0 : index
    %swap3A_23 = vector.load %arg3[%swap3A, %swap3A_22] : memref<512x128xf32, #tpu.memory_space<vmem>>, vector<512x128xf32>
    tpu.vector_store %arg3[%swap3A, %swap3A_22], %select_n3A {strides = array<i32>} : memref<512x128xf32, #tpu.memory_space<vmem>>, vector<512x128xf32>,
    return
  }
}

</mosaic_0001>

<sc_bundles>
// kernel: kernel.4.cloned.1.call-start
scs
__scs_entry_jumppad:
0x0: {  	(pc) =	sbr.rel $0x88, $3  }
0x1: {  	(tag) =	ssettag $0x0;
	lr =	simm.s32 $0x1  }
0x2: {  	[smem:$0x3F9C] =	sst lr;
	_ =	strace $0xD0000000  }
0x3: {  	_ = 	snop  }
0x4: {  	_ = 	snop  }
0x5: {  	_ = 	snop  }
0x6: {  	_ = 	snop  }
0x7: {  	_ = 	snop  }
__scs_overlays_trampoline_lowered:
0x8: {  	[smem:$0x3FAB] =	sst s0  }
0x9: {  	[smem:$0x3FAC] =	sst s1  }
0xa: {  	[smem:$0x3FAD] =	sst s2  }
0xb: {  	[smem:$0x3FAE] =	sst s3  }
0xc: {  	[smem:$0x3FAF] =	sst s4  }
0xd: {  	[smem:$0x3FB0] =	sst s5  }
0xe: {  	[smem:$0x3FB1] =	sst s6  }
0xf: {  	[smem:$0x3FB2] =	sst s7  }
0x10: {  	[smem:$0x3FB3] =	sst s8  }
0x11: {  	[smem:$0x3FB4] =	sst s9;
	s0 =	simm.s32 @!p0 $0x0  }
0x12: {  	s1 =	sld [smem:$0x3F9A];
	s0 =	simm.s32 @p0 $0x1  }
0x13: {  	[smem:$0x3FB5] =	sst s0;
	s0 =	simm.s32 @!p1 $0x0  }
0x14: {  	s2 =	sld [smem:$0x3F99];
	s0 =	simm.s32 @p1 $0x1  }
0x15: {  	[smem:$0x3FB6] =	sst s0;
	s0 =	simm.s32 @!p2 $0x0  }
0x16: {  	s3 =	sld [smem:$0x3FDB];
	s0 =	simm.s32 @p2 $0x1  }
0x17: {  	s4 =	simm.s32 $0x1BF5;
	[smem:$0x3FB8] =	sst s0  }
0x18: {  	s0 =	sld [smem:$0x3F9B];
	_ =	swait.ge [sflag:s4], $0x0  }
0x19: {  	s7 =	sld [smem:$0x3F9C]  }
0x1a: {  	s8 =	sadd.s32 $0xFFFFE003, lr  }
0x1b: {  	s9 =	sadd.s32 $0xFFFFFEF7, lr;
	s5 =	simm.s32 $0xFFFFFFFF;
	p2 =	slt.u32 s8, $0xFFFFF086  }
0x1c: {  	p1 =	slt.u32 s9, $0xF7A;
	s5 =	simm.s32 @!p2 $0x0  }
0x1d: {  	s5 =	simm.s32 @p1 $0x1;
	p0 =	seq.s32 s7, s2  }
0x1e: {  	s7 =	smul.u32 @!p0 $0xF7A, s2;
	p2 =	seq.s32 @!p0 s5, $0x0  }
0x1f: {  	s9 =	smul.u32 $0xF7A, s1;
	s8 =	simm.s32 @!p0 $0x1BF5;
	p2 =	por !p2, p0  }
0x20: {  	[sflag:s8] =	ssyncset.s32 @!p0 $0xFFFFF086;
	s6 =	sadd.s32 @!p0 s3, s7;
	s7 =	simm.s32 @!p0 $0x108  }
0x21: {  	s3 =	sadd.s32 s3, s9;
	s6 =	sadd.s32 @!p0 $0x88, s6;
	s7 =	simm.s32 @p2 $0x1082  }
0x22: {  	[simem:s7], [sflag:s8] =	dma.local @!p0 [hbm:s6], $0xF7A  }
0x23: {  	s9 =	sor.u32 $0xD0000000, s2;
	s6 =	simm.s32 $0x108;
	_ =	swait.ge @!p0 [sflag:s8], $0x0  }
0x24: {  	s3 =	sadd.s32 $0x88, s3;
	s6 =	simm.s32 @!p1 $0x1082;
	[sflag:s4] =	ssyncset.s32 $0xFFFFF086  }
0x25: {  	[simem:s6], [sflag:s4] =	dma.local [hbm:s3], $0xF7A  }
0x26: {  	[smem:$0x3F9C] =	sst s1;
	(tag) =	ssettag s2;
	_ =	strace s9  }
0x27: {  	s1 =	sld [smem:$0x3FAC]  }
0x28: {  	s2 =	sld [smem:$0x3FAD]  }
0x29: {  	s4 =	sld [smem:$0x3FAF]  }
0x2a: {  	p0 =	seq.s32 s5, $0x0;
	s5 =	sld [smem:$0x3FB0]  }
0x2b: {  	s6 =	sld [smem:$0x3FB1]  }
0x2c: {  	s7 =	sld [smem:$0x3FB2]  }
0x2d: {  	s3 =	simm.s32 $0x108;
	s8 =	sld [smem:$0x3FB3]  }
0x2e: {  	s3 =	simm.s32 @!p0 $0x1082;
	s9 =	sld [smem:$0x3FB4]  }
0x2f: {  	lr =	sadd.s32 s0, s3;
	s0 =	sld [smem:$0x3FAB]  }
0x30: {  	s3 =	sld [smem:$0x3FAE]  }
0x31: {  	[smem:$0x3FB7] =	sst s10  }
0x32: {  	s10 =	sld [smem:$0x3FB5];
	_ =	sdelay $0x3  }
0x33: {  	p0 =	seq.s32 s10, $0x1;
	s10 =	sld [smem:$0x3FB7];
	_ =	sdelay $0x3  }
0x34: {  	[smem:$0x3FB7] =	sst s10  }
0x35: {  	s10 =	sld [smem:$0x3FB6];
	_ =	sdelay $0x3  }
0x36: {  	p1 =	seq.s32 s10, $0x1;
	s10 =	sld [smem:$0x3FB7];
	_ =	sdelay $0x3  }
0x37: {  	[smem:$0x3FB7] =	sst s10  }
0x38: {  	s10 =	sld [smem:$0x3FB8]  }
0x39: {  	_ = 	snop;
	(pc) =	sbr.ind lr, $3  }
0x3a: {  	_ = 	snop  }
0x3b: {  	_ = 	snop  }
0x3c: {  	p2 =	seq.s32 s10, $0x1;
	s10 =	sld [smem:$0x3FB7]  }
0x3d: {  	_ =	shalt  }
0x3e: {  	_ =	shalt  }
0x3f: {  	_ =	shalt  }
0x40: {  	_ =	shalt  }
0x41: {  	_ =	shalt  }
0x42: {  	_ =	shalt  }
0x43: {  	_ =	shalt  }
0x44: {  	_ =	shalt  }
0x45: {  	_ =	shalt  }
0x46: {  	_ =	shalt  }
0x47: {  	_ =	shalt  }
0x48: {  	_ =	shalt  }
0x49: {  	_ =	shalt  }
0x4a: {  	_ =	shalt  }
0x4b: {  	_ =	shalt  }
0x4c: {  	_ =	shalt  }
0x4d: {  	_ =	shalt  }
0x4e: {  	_ =	shalt  }
0x4f: {  	_ =	shalt  }
0x50: {  	_ =	shalt  }
0x51: {  	_ =	shalt  }
0x52: {  	_ =	shalt  }
0x53: {  	_ =	shalt  }
0x54: {  	_ =	shalt  }
0x55: {  	_ =	shalt  }
0x56: {  	_ =	shalt  }
0x57: {  	_ =	shalt  }
0x58: {  	_ =	shalt  }
0x59: {  	_ =	shalt  }
0x5a: {  	_ =	shalt  }
0x5b: {  	_ =	shalt  }
0x5c: {  	_ =	shalt  }
0x5d: {  	_ =	shalt  }
0x5e: {  	_ =	shalt  }
0x5f: {  	_ =	shalt  }
0x60: {  	_ =	shalt  }
0x61: {  	_ =	shalt  }
0x62: {  	_ =	shalt  }
0x63: {  	_ =	shalt  }
0x64: {  	_ =	shalt  }
0x65: {  	_ =	shalt  }
0x66: {  	_ =	shalt  }
0x67: {  	_ =	shalt  }
0x68: {  	_ =	shalt  }
0x69: {  	_ =	shalt  }
0x6a: {  	_ =	shalt  }
0x6b: {  	_ =	shalt  }
0x6c: {  	_ =	shalt  }
0x6d: {  	_ =	shalt  }
0x6e: {  	_ =	shalt  }
0x6f: {  	_ =	shalt  }
0x70: {  	_ =	shalt  }
0x71: {  	_ =	shalt  }
0x72: {  	_ =	shalt  }
0x73: {  	_ =	shalt  }
0x74: {  	_ =	shalt  }
0x75: {  	_ =	shalt  }
0x76: {  	_ =	shalt  }
0x77: {  	_ =	shalt  }
0x78: {  	_ =	shalt  }
0x79: {  	_ =	shalt  }
0x7a: {  	_ =	shalt  }
0x7b: {  	_ =	shalt  }
0x7c: {  	_ =	shalt  }
0x7d: {  	_ =	shalt  }
0x7e: {  	_ =	shalt  }
0x7f: {  	_ =	shalt  }
0x80: {  	_ =	shalt  }
0x81: {  	_ =	shalt  }
0x82: {  	_ =	shalt  }
0x83: {  	_ =	shalt  }
0x84: {  	_ =	shalt  }
0x85: {  	_ =	shalt  }
0x86: {  	_ =	shalt  }
0x87: {  	_ =	shalt  }
.Lfunc_end0:
.L_simem_size_0:
called_computation_lowered:
.L_overlay_start_0:
0x88: {  	s2 =	sld [smem:$0x3FD9]  }
0x89: {  	s3 =	sld [smem:$0x3FFE];
	_ =	sdelay $0x1  }
0x8a: {  	s1 =	srdreg.scid  }
0x8b: {  	s0 =	sand.u32 $0x1, s1  }
0x8c: {  	s17 =	sshll.u32 s0, $0xA;
	s2 =	sadd.s32 s3, s2  }
0x8d: {  	s2 =	sadd.s32 s2, s17  }
0x8e: {  	[smem:$0x3FC3] =	sst s2  }
0x8f: {  	_ = 	snop  }
0x90: {  	s2 =	sld [smem:$0x3FC9]  }
0x91: {  	s18 =	sld [smem:$0x3FD0];
	(tm) =	ssettm $0x1  }
0x92: {  	s4 =	sld [smem:$0x3FFB];
	_ =	sdelay $0x3  }
0x93: {  	_ =	strace s4  }
0x94: {  	s4 =	sld [smem:$0x3FFC];
	_ =	sdelay $0x3  }
0x95: {  	_ =	strace s4  }
0x96: {  	s4 =	sld [smem:$0x3FFD];
	_ =	sdelay $0x3  }
0x97: {  	_ =	strace s4  }
0x98: {  	_ =	strace $0x8FFFFFFF  }
0x99: {  	s19 =	sld [smem:$0x3FDB];
	_ =	sdelay $0x1  }
0x9a: {  	s5 =	simm.s32 $_scs_section_size  }
0x9b: {  	s6 =	simm.s32 $_size__tile_overlayer_lowered;
	s7 =	simm.s32 $_tile_overlayer_lowered  }
0x9c: {  	s22 =	simm.s32 $0x1BFF;
	s21 =	sshll.u32 s7, $0x1;
	s4 =	sadd.s32 s5, s19  }
0x9d: {  	s8 =	simm.s32 $0x0;
	s20 =	sshll.u32 s6, $0x1;
	s6 =	sadd.s32 s21, s4  }
0x9e: {  	[timem:s8], [sflag:s22] =	dma.local [hbm:s6], s20  }
0x9f: {  	_ =	swait.ge [sflag:s22], s20  }
0xa0: {  	s5 =	ssub.s32 $0x0, s20;
	[sflag:s22] =	ssyncset.done $0x0  }
0xa1: {  	[sflag:s22] =	ssyncadd.s32 s5;
	_ =	sdelay $0x1  }
0xa2: {  	s23 =	simm.s32 $0x1B8B  }
0xa3: {  	_ =	swait.ge [sflag:s23], $0x1  }
0xa4: {  	[sflag:s23] =	ssyncset.done $0x0  }
0xa5: {  	s25 =	simm.s32 $0x1B8E;
	s24 =	sld [smem:$0x3FFE];
	[sflag:s23] =	ssyncadd.s32 $0xFFFFFFFF  }
0xa6: {  	s26 =	simm.s32 $execute0_lowered;
	[smem:$0x3FD2] =	sst s25  }
0xa7: {  	s6 =	sshll.u32 s26, $0x1;
	_ =	strace $0x80000046;
	[dreg:$0x1] =	wrdreg $0xFFFFFFFF  }
0xa8: {  	s28 =	simm.s32 $_size_execute0_lowered;
	s4 =	sadd.s32 s4, s6;
	[dreg:$0x0] =	wrdreg $0x0  }
0xa9: {  	s6 =	sshll.u32 s28, $0x1;
	[dreg:$0x2] =	wrdreg s4  }
0xaa: {  	[dreg:$0x3] =	wrdreg s6  }
0xab: {  	[dreg:$0x4] =	wrdreg $0xC0  }
0xac: {  	_ =	task [dreg:s8], $0x5FFFF  }
0xad: {  	[dreg:$0x1] =	wrdreg $0xFFFFFFFF  }
0xae: {  	[dreg:$0x0] =	wrdreg $0x60  }
0xaf: {  	[dreg:$0x2] =	wrdreg s2  }
0xb0: {  	[dreg:$0x3] =	wrdreg s24  }
0xb1: {  	[dreg:$0x4] =	wrdreg s18  }
0xb2: {  	[dreg:$0x5] =	wrdreg $0x0  }
0xb3: {  	[dreg:$0x6] =	wrdreg $0x9  }
0xb4: {  	_ =	task.clear_ibuf [dreg:s8], $0x7FFFF;
	_ =	strace $0x90000046  }
0xb5: {  	s29 =	simm.s32 $0x9;
	_ =	strace $0x80000048  }
0xb6: {  	_ =	swait.ge [sflag:s29], $0x1  }
0xb7: {  	[sflag:s29] =	ssyncadd.s32 $0xFFFFFFFF  }
0xb8: {  	_ =	strace $0x90000048  }
0xb9: {  	_ =	sfence  }
0xba: {  	s30 =	sld [smem:$0x0];
	_ =	sdelay $0x2  }
0xbb: {  	s31 =	sshll.u32 s1, $0xD;
	s1 =	sshrl.u32 s1, $0x2  }
0xbc: {  	s3 =	sand.u32 $0x4000, s31;
	s1 =	sadd.s32 s1, s30  }
0xbd: {  	s0 =	sor.u32 s3, s0;
	s1 =	sshll.u32 s1, $0x11  }
0xbe: {  	s0 =	sor.u32 s1, s0  }
0xbf: {  	s0 =	sadd.s32 $0x8F2B, s0  }
0xc0: {  	[sflag:s0] =	ssyncadd.remote.s32 $0x1  }
0xc1: {  	_ =	sfence.sel $0xFFFF  }
0xc2: {  	[dreg:$0x0] =	wrdreg $0xFFFFFFFF;
	(pc) =	sbr.abs _section_cstart, $3  }
0xc3: {  	[dreg:$0x1] =	wrdreg $0xFFFFFFFF  }
0xc4: {  	_ =	task.clear_ibuf [dreg:s8], $0x2FFFF;
	_ =	strace $0x9FFFFFFF  }
0xc5: {  	(tm) =	ssettm $0x7FFFFFFF  }
tec
execute0_lowered:
.L_overlay_start_1:
0x0: {  	(tag) =	ssettag $0x1  }
0x1: {  	s0 =	rddreg [dreg:$0x0]  }
0x2: {  	s1 =	rddreg [dreg:$0x1];
	s2 =	srdreg.scid  }
0x3: {  	s4 =	rddreg [dreg:$0x3];
	s11 =	stileid.u32;
	s5 =	simm.s32 $0x0  }
0x4: {  	s10 =	simm.s32 $0x1000;
	s12 =	simm.s32 $0x7;
	s13 =	simm.s32 $0x7D  }
0x5: {  	s14 =	simm.s32 $0x6000;
	s16 =	simm.s32 $0xA000;
	s18 =	simm.s32 $0xE000  }
0x6: {  	s20 =	simm.s32 $0x12000;
	s22 =	simm.s32 $0x16000;
	s28 =	simm.s32 $0x1  }
0x7: {  	s29 =	simm.s32 $0x1A000;
	s30 =	simm.s32 $0x2;
	s31 =	simm.s32 $0x3  }
0x8: {  	s15 =	simm.s32 $0x0;
	s2 =	sand.u32 $0x1, s2;
	[smem:$0x7FF] =	sst s5  }
0x9: {  	s7 =	sshll.u32 s11, $0x9;
	s24 =	sshll.u32 s11, $0xC;
	s26 =	sshll.u32 s11, $0x6  }
0xa: {  	s3 =	sshll.u32 s2, $0x4;
	s6 =	ssub.s32 $0x2, s2;
	_ =	strace $0x80000047  }
0xb: {  	s2 =	sshll.u32 s2, $0xD;
	s25 =	sadd.s32 s24, s4;
	s3 =	sor.u32 s11, s3  }
0xc: {  	s23 =	sor.u32 $0x1C09, s26;
	s26 =	simm.s32 $0x8;
	s3 =	smul.u32 $0x500, s3  }
0xd: {  	s8 =	sshrl.u32 s6, $0x1;
	s24 =	sshrl.u32 s25, $0x3;
	s25 =	simm.s32 $0x9  }
0xe: {  	s11 =	simm.s32 $0x5F80;
	s9 =	ssub.s32 s6, s8;
	s3 =	sadd.s32 s3, s1  }
0xf: {  	s9 =	smax.u32 s9, $0x1;
	s1 =	sadd.s32 s7, s1;
	s6 =	sadd.s32 $0xC00, s3  }
0x10: {  	s7 =	sadd.s32 $0xAC00, s3;
	s1 =	sadd.s32 s2, s1;
	s2 =	simm.s32 $0x5  }
0x11: {  	s3 =	simm.s32 $0x6;
	s8 =	sadd.s32 $0x14C00, s1;
	s1 =	simm.s32 $0x4  }
.LBB2_1:
0x12: {  	[tilespmem:s10], [sflag:$0x7] =	stream.linear.gather [hbm4b:s6+s5], $0x2800, $0x38;
	[tilespmem:$0x1E000] =	vst v63  }
0x13: {  	s17 =	simm.s32 $0x3800  }
0x14: {  	[tilespmem:s17], [sflag:$0x8] =	stream.linear.gather [hbm4b:s7+s5], $0x2800, $0x38;
	[tilespmem:$0x1E000] =	vst v63  }
0x15: {  	_ =	swait.ge [sflag:s12], $0x2800  }
0x16: {  	[sflag:s12] =	ssyncset.done $0x0  }
0x17: {  	[sflag:s12] =	ssyncadd.s32 $0xFFFFD800  }
0x18: {  	[tilespmem:s14], [sflag:$0x1] =	stream.indirect.gather [hbm4b:s0+s13], $0x80, s10, s13, $0xb8;
	[tilespmem:$0x1E000] =	vst v63  }
0x19: {  	s19 =	simm.s32 $0x1080  }
0x1a: {  	[tilespmem:s16], [sflag:$0x2] =	stream.indirect.gather [hbm4b:s0+s13], $0x80, s19, s13, $0xb8;
	[tilespmem:$0x1E000] =	vst v63  }
0x1b: {  	s21 =	simm.s32 $0x1100  }
0x1c: {  	[tilespmem:s18], [sflag:$0x3] =	stream.indirect.gather [hbm4b:s0+s13], $0x80, s21, s13, $0xb8;
	[tilespmem:$0x1E000] =	vst v63  }
0x1d: {  	s19 =	simm.s32 $0x1180  }
0x1e: {  	[tilespmem:s20], [sflag:$0x4] =	stream.indirect.gather [hbm4b:s0+s13], $0x80, s19, s13, $0xb8;
	[tilespmem:$0x1E000] =	vst v63  }
0x1f: {  	s21 =	simm.s32 $0x1200;
	s19 =	rddreg [dreg:$0x2]  }
0x20: {  	[tilespmem:s22], [sflag:$0x5] =	stream.indirect.gather [hbm4b:s0+s13], $0x80, s21, s13, $0xb8;
	[tilespmem:$0x1E000] =	vst v63  }
0x21: {  	[spmem:s24], [sflag:s23] =	dma.local [hbm:s19], $0x200  }
0x22: {  	_ =	swait.ge [sflag:s25], $0x200  }
0x23: {  	[sflag:s25] =	ssyncset.done $0x0  }
0x24: {  	[sflag:s25] =	ssyncadd.s32 $0xFFFFFE00  }
0x25: {  	_ =	swait.ge [sflag:s26], $0x2800  }
0x26: {  	[sflag:s26] =	ssyncset.done $0x0  }
0x27: {  	[sflag:s26] =	ssyncadd.s32 $0xFFFFD800  }
0x28: {  	[bflag:$0x0] =	sbarrier.arrive $0xFFFF  }
0x29: {  	_ =	swait.ge [sflag:s28], $0x3E80  }
0x2a: {  	[sflag:s28] =	ssyncset.done $0x0  }
0x2b: {  	s21 =	simm.s32 $0x3800;
	[sflag:s28] =	ssyncadd.s32 $0xFFFFC180  }
0x2c: {  	[spmem:s4] =	stream.indirect.scatter.add.f32 [tilespmem:s14], [sflag:$0x9], $0x80, s21, s13, $0xb8;
	[tilespmem:$0x1E000] =	vst v63  }
0x2d: {  	_ =	swait.ge [sflag:s25], $0x3E80  }
0x2e: {  	[sflag:s25] =	ssyncset.done $0x0  }
0x2f: {  	s19 =	simm.s32 $0x1280;
	[sflag:s25] =	ssyncadd.s32 $0xFFFFC180  }
0x30: {  	[tilespmem:s29], [sflag:$0x6] =	stream.indirect.gather [hbm4b:s0+s13], $0x80, s19, s13, $0xb8;
	[tilespmem:$0x1E000] =	vst v63  }
0x31: {  	_ =	swait.ge [sflag:s30], $0x3E80  }
0x32: {  	[sflag:s30] =	ssyncset.done $0x0  }
0x33: {  	s21 =	simm.s32 $0x3880;
	[sflag:s30] =	ssyncadd.s32 $0xFFFFC180  }
0x34: {  	[spmem:s4] =	stream.indirect.scatter.add.f32 [tilespmem:s16], [sflag:$0x9], $0x80, s21, s13, $0xb8;
	[tilespmem:$0x1E000] =	vst v63  }
0x35: {  	_ =	swait.ge [sflag:s25], $0x3E80  }
0x36: {  	[sflag:s25] =	ssyncset.done $0x0  }
0x37: {  	s19 =	simm.s32 $0x1300;
	[sflag:s25] =	ssyncadd.s32 $0xFFFFC180  }
0x38: {  	[tilespmem:s14], [sflag:$0x1] =	stream.indirect.gather [hbm4b:s0+s13], $0x80, s19, s13, $0xb8;
	[tilespmem:$0x1E000] =	vst v63  }
0x39: {  	_ =	swait.ge [sflag:s31], $0x3E80  }
0x3a: {  	[sflag:s31] =	ssyncset.done $0x0  }
0x3b: {  	s21 =	simm.s32 $0x3900;
	[sflag:s31] =	ssyncadd.s32 $0xFFFFC180  }
0x3c: {  	[spmem:s4] =	stream.indirect.scatter.add.f32 [tilespmem:s18], [sflag:$0x9], $0x80, s21, s13, $0xb8;
	[tilespmem:$0x1E000] =	vst v63  }
0x3d: {  	_ =	swait.ge [sflag:s25], $0x3E80  }
0x3e: {  	[sflag:s25] =	ssyncset.done $0x0  }
0x3f: {  	s19 =	simm.s32 $0x1380;
	[sflag:s25] =	ssyncadd.s32 $0xFFFFC180  }
0x40: {  	[tilespmem:s16], [sflag:$0x2] =	stream.indirect.gather [hbm4b:s0+s13], $0x80, s19, s13, $0xb8;
	[tilespmem:$0x1E000] =	vst v63  }
0x41: {  	_ =	swait.ge [sflag:s1], $0x3E80  }
0x42: {  	[sflag:s1] =	ssyncset.done $0x0  }
0x43: {  	s21 =	simm.s32 $0x3980;
	[sflag:s1] =	ssyncadd.s32 $0xFFFFC180  }
0x44: {  	[spmem:s4] =	stream.indirect.scatter.add.f32 [tilespmem:s20], [sflag:$0x9], $0x80, s21, s13, $0xb8;
	[tilespmem:$0x1E000] =	vst v63  }
0x45: {  	_ =	swait.ge [sflag:s25], $0x3E80  }
0x46: {  	[sflag:s25] =	ssyncset.done $0x0  }
0x47: {  	s19 =	simm.s32 $0x1400;
	[sflag:s25] =	ssyncadd.s32 $0xFFFFC180  }
0x48: {  	[tilespmem:s18], [sflag:$0x3] =	stream.indirect.gather [hbm4b:s0+s13], $0x80, s19, s13, $0xb8;
	[tilespmem:$0x1E000] =	vst v63  }
0x49: {  	_ =	swait.ge [sflag:s2], $0x3E80  }
0x4a: {  	[sflag:s2] =	ssyncset.done $0x0  }
0x4b: {  	s21 =	simm.s32 $0x3A00;
	[sflag:s2] =	ssyncadd.s32 $0xFFFFC180  }
0x4c: {  	[spmem:s4] =	stream.indirect.scatter.add.f32 [tilespmem:s22], [sflag:$0x9], $0x80, s21, s13, $0xb8;
	[tilespmem:$0x1E000] =	vst v63  }
0x4d: {  	_ =	swait.ge [sflag:s25], $0x3E80  }
0x4e: {  	[sflag:s25] =	ssyncset.done $0x0  }
0x4f: {  	s19 =	simm.s32 $0x1480;
	[sflag:s25] =	ssyncadd.s32 $0xFFFFC180  }
0x50: {  	[tilespmem:s20], [sflag:$0x4] =	stream.indirect.gather [hbm4b:s0+s13], $0x80, s19, s13, $0xb8;
	[tilespmem:$0x1E000] =	vst v63  }
0x51: {  	_ =	swait.ge [sflag:s3], $0x3E80  }
0x52: {  	[sflag:s3] =	ssyncset.done $0x0  }
0x53: {  	s21 =	simm.s32 $0x3A80;
	[sflag:s3] =	ssyncadd.s32 $0xFFFFC180  }
0x54: {  	[spmem:s4] =	stream.indirect.scatter.add.f32 [tilespmem:s29], [sflag:$0x9], $0x80, s21, s13, $0xb8;
	[tilespmem:$0x1E000] =	vst v63  }
0x55: {  	_ =	swait.ge [sflag:s25], $0x3E80  }
0x56: {  	[sflag:s25] =	ssyncset.done $0x0  }
0x57: {  	s17 =	simm.s32 $0xC00;
	s19 =	simm.s32 $0x1500;
	[sflag:s25] =	ssyncadd.s32 $0xFFFFC180  }
.LBB2_2:
0x58: {  	[tilespmem:s22], [sflag:$0x5] =	stream.indirect.gather [hbm4b:s0+s13], $0x80, s19, s13, $0xb8;
	[tilespmem:$0x1E000] =	vst v63  }
0x59: {  	s19 =	smov.u32 s17  }
0x5a: {  	p0 =	sne.s32 s17, $0x8400;
	s17 =	sadd.s32 $0xC00, s17;
	_ =	swait.ge [sflag:s28], $0x3E80  }
0x5b: {  	s19 =	sshra.s32 s19, $0x2;
	[sflag:s28] =	ssyncset.done $0x0  }
0x5c: {  	s21 =	sadd.s32 $0x3800, s19;
	[sflag:s28] =	ssyncadd.s32 $0xFFFFC180  }
0x5d: {  	[spmem:s4] =	stream.indirect.scatter.add.f32 [tilespmem:s14], [sflag:$0x9], $0x80, s21, s13, $0xb8;
	[tilespmem:$0x1E000] =	vst v63  }
0x5e: {  	_ =	swait.ge [sflag:s25], $0x3E80  }
0x5f: {  	[sflag:s25] =	ssyncset.done $0x0  }
0x60: {  	s21 =	sadd.s32 $0x1280, s19;
	[sflag:s25] =	ssyncadd.s32 $0xFFFFC180  }
0x61: {  	[tilespmem:s29], [sflag:$0x6] =	stream.indirect.gather [hbm4b:s0+s13], $0x80, s21, s13, $0xb8;
	[tilespmem:$0x1E000] =	vst v63  }
0x62: {  	_ =	swait.ge [sflag:s30], $0x3E80  }
0x63: {  	[sflag:s30] =	ssyncset.done $0x0  }
0x64: {  	s21 =	sadd.s32 $0x3880, s19;
	[sflag:s30] =	ssyncadd.s32 $0xFFFFC180  }
0x65: {  	[spmem:s4] =	stream.indirect.scatter.add.f32 [tilespmem:s16], [sflag:$0x9], $0x80, s21, s13, $0xb8;
	[tilespmem:$0x1E000] =	vst v63  }
0x66: {  	_ =	swait.ge [sflag:s25], $0x3E80  }
0x67: {  	[sflag:s25] =	ssyncset.done $0x0  }
0x68: {  	s21 =	sadd.s32 $0x1300, s19;
	[sflag:s25] =	ssyncadd.s32 $0xFFFFC180  }
0x69: {  	[tilespmem:s14], [sflag:$0x1] =	stream.indirect.gather [hbm4b:s0+s13], $0x80, s21, s13, $0xb8;
	[tilespmem:$0x1E000] =	vst v63  }
0x6a: {  	_ =	swait.ge [sflag:s31], $0x3E80  }
0x6b: {  	[sflag:s31] =	ssyncset.done $0x0  }
0x6c: {  	s21 =	sadd.s32 $0x3900, s19;
	[sflag:s31] =	ssyncadd.s32 $0xFFFFC180  }
0x6d: {  	[spmem:s4] =	stream.indirect.scatter.add.f32 [tilespmem:s18], [sflag:$0x9], $0x80, s21, s13, $0xb8;
	[tilespmem:$0x1E000] =	vst v63  }
0x6e: {  	_ =	swait.ge [sflag:s25], $0x3E80  }
0x6f: {  	[sflag:s25] =	ssyncset.done $0x0  }
0x70: {  	s21 =	sadd.s32 $0x1380, s19;
	[sflag:s25] =	ssyncadd.s32 $0xFFFFC180  }
0x71: {  	[tilespmem:s16], [sflag:$0x2] =	stream.indirect.gather [hbm4b:s0+s13], $0x80, s21, s13, $0xb8;
	[tilespmem:$0x1E000] =	vst v63  }
0x72: {  	_ =	swait.ge [sflag:s1], $0x3E80  }
0x73: {  	[sflag:s1] =	ssyncset.done $0x0  }
0x74: {  	s21 =	sadd.s32 $0x3980, s19;
	[sflag:s1] =	ssyncadd.s32 $0xFFFFC180  }
0x75: {  	[spmem:s4] =	stream.indirect.scatter.add.f32 [tilespmem:s20], [sflag:$0x9], $0x80, s21, s13, $0xb8;
	[tilespmem:$0x1E000] =	vst v63  }
0x76: {  	_ =	swait.ge [sflag:s25], $0x3E80  }
0x77: {  	[sflag:s25] =	ssyncset.done $0x0  }
0x78: {  	s21 =	sadd.s32 $0x1400, s19;
	[sflag:s25] =	ssyncadd.s32 $0xFFFFC180  }
0x79: {  	[tilespmem:s18], [sflag:$0x3] =	stream.indirect.gather [hbm4b:s0+s13], $0x80, s21, s13, $0xb8;
	[tilespmem:$0x1E000] =	vst v63  }
0x7a: {  	_ =	swait.ge [sflag:s2], $0x3E80  }
0x7b: {  	[sflag:s2] =	ssyncset.done $0x0  }
0x7c: {  	s21 =	sadd.s32 $0x3A00, s19;
	[sflag:s2] =	ssyncadd.s32 $0xFFFFC180  }
0x7d: {  	[spmem:s4] =	stream.indirect.scatter.add.f32 [tilespmem:s22], [sflag:$0x9], $0x80, s21, s13, $0xb8;
	[tilespmem:$0x1E000] =	vst v63  }
0x7e: {  	_ =	swait.ge [sflag:s25], $0x3E80  }
0x7f: {  	[sflag:s25] =	ssyncset.done $0x0  }
0x80: {  	s21 =	sadd.s32 $0x1480, s19;
	[sflag:s25] =	ssyncadd.s32 $0xFFFFC180  }
0x81: {  	[tilespmem:s20], [sflag:$0x4] =	stream.indirect.gather [hbm4b:s0+s13], $0x80, s21, s13, $0xb8;
	[tilespmem:$0x1E000] =	vst v63  }
0x82: {  	_ =	swait.ge [sflag:s3], $0x3E80  }
0x83: {  	[sflag:s3] =	ssyncset.done $0x0  }
.Ltmp0:
0x84: {  	s21 =	sadd.s32 $0x3A80, s19;
	[sflag:s3] =	ssyncadd.s32 $0xFFFFC180;
	(pc) =	sbr.rel @p0 .LBB2_2-.Ltmp0, $4  }
0x85: {  	[spmem:s4] =	stream.indirect.scatter.add.f32 [tilespmem:s29], [sflag:$0x9], $0x80, s21, s13, $0xb8;
	[tilespmem:$0x1E000] =	vst v63  }
0x86: {  	_ =	swait.ge [sflag:s25], $0x3E80  }
0x87: {  	[sflag:s25] =	ssyncset.done $0x0  }
0x88: {  	s19 =	sadd.s32 $0x1500, s19;
	[sflag:s25] =	ssyncadd.s32 $0xFFFFC180  }
0x89: {  	[tilespmem:s22], [sflag:$0x5] =	stream.indirect.gather [hbm4b:s0+s13], $0x80, s19, s13, $0xb8;
	[tilespmem:$0x1E000] =	vst v63  }
0x8a: {  	_ =	swait.ge [sflag:s28], $0x3E80  }
0x8b: {  	[sflag:s28] =	ssyncset.done $0x0  }
0x8c: {  	s17 =	simm.s32 $0x5C00;
	[sflag:s28] =	ssyncadd.s32 $0xFFFFC180  }
0x8d: {  	[spmem:s4] =	stream.indirect.scatter.add.f32 [tilespmem:s14], [sflag:$0x9], $0x80, s17, s13, $0xb8;
	[tilespmem:$0x1E000] =	vst v63  }
0x8e: {  	_ =	swait.ge [sflag:s25], $0x3E80  }
0x8f: {  	[sflag:s25] =	ssyncset.done $0x0  }
0x90: {  	s21 =	simm.s32 $0x3680;
	[sflag:s25] =	ssyncadd.s32 $0xFFFFC180  }
0x91: {  	[tilespmem:s29], [sflag:$0x6] =	stream.indirect.gather [hbm4b:s0+s13], $0x80, s21, s13, $0xb8;
	[tilespmem:$0x1E000] =	vst v63  }
0x92: {  	_ =	swait.ge [sflag:s30], $0x3E80  }
0x93: {  	[sflag:s30] =	ssyncset.done $0x0  }
0x94: {  	s19 =	simm.s32 $0x5C80;
	[sflag:s30] =	ssyncadd.s32 $0xFFFFC180  }
0x95: {  	[spmem:s4] =	stream.indirect.scatter.add.f32 [tilespmem:s16], [sflag:$0x9], $0x80, s19, s13, $0xb8;
	[tilespmem:$0x1E000] =	vst v63  }
0x96: {  	_ =	swait.ge [sflag:s25], $0x3E80  }
0x97: {  	[sflag:s25] =	ssyncset.done $0x0  }
0x98: {  	s21 =	simm.s32 $0x3700;
	[sflag:s25] =	ssyncadd.s32 $0xFFFFC180  }
0x99: {  	[tilespmem:s14], [sflag:$0x1] =	stream.indirect.gather [hbm4b:s0+s13], $0x80, s21, s13, $0xb8;
	[tilespmem:$0x1E000] =	vst v63  }
0x9a: {  	_ =	swait.ge [sflag:s31], $0x3E80  }
0x9b: {  	[sflag:s31] =	ssyncset.done $0x0  }
0x9c: {  	s19 =	simm.s32 $0x5D00;
	[sflag:s31] =	ssyncadd.s32 $0xFFFFC180  }
0x9d: {  	[spmem:s4] =	stream.indirect.scatter.add.f32 [tilespmem:s18], [sflag:$0x9], $0x80, s19, s13, $0xb8;
	[tilespmem:$0x1E000] =	vst v63  }
0x9e: {  	_ =	swait.ge [sflag:s25], $0x3E80  }
0x9f: {  	[sflag:s25] =	ssyncset.done $0x0  }
0xa0: {  	s21 =	simm.s32 $0x3780;
	[sflag:s25] =	ssyncadd.s32 $0xFFFFC180  }
0xa1: {  	[tilespmem:s16], [sflag:$0x2] =	stream.indirect.gather [hbm4b:s0+s13], $0x80, s21, s13, $0xb8;
	[tilespmem:$0x1E000] =	vst v63  }
0xa2: {  	_ =	swait.ge [sflag:s1], $0x3E80  }
0xa3: {  	[sflag:s1] =	ssyncset.done $0x0  }
0xa4: {  	s19 =	simm.s32 $0x5D80;
	[sflag:s1] =	ssyncadd.s32 $0xFFFFC180  }
0xa5: {  	[spmem:s4] =	stream.indirect.scatter.add.f32 [tilespmem:s20], [sflag:$0x9], $0x80, s19, s13, $0xb8;
	[tilespmem:$0x1E000] =	vst v63  }
0xa6: {  	_ =	swait.ge [sflag:s25], $0x3E80  }
0xa7: {  	[sflag:s25] =	ssyncset.done $0x0  }
0xa8: {  	[sflag:s25] =	ssyncadd.s32 $0xFFFFC180  }
0xa9: {  	_ =	swait.ge [sflag:s2], $0x3E80  }
0xaa: {  	[sflag:s2] =	ssyncset.done $0x0  }
0xab: {  	s21 =	simm.s32 $0x5E00;
	[sflag:s2] =	ssyncadd.s32 $0xFFFFC180  }
0xac: {  	[spmem:s4] =	stream.indirect.scatter.add.f32 [tilespmem:s22], [sflag:$0x9], $0x80, s21, s13, $0xb8;
	[tilespmem:$0x1E000] =	vst v63  }
0xad: {  	_ =	swait.ge [sflag:s25], $0x3E80  }
0xae: {  	[sflag:s25] =	ssyncset.done $0x0  }
0xaf: {  	[sflag:s25] =	ssyncadd.s32 $0xFFFFC180  }
0xb0: {  	_ =	swait.ge [sflag:s3], $0x3E80  }
0xb1: {  	[sflag:s3] =	ssyncset.done $0x0  }
0xb2: {  	s19 =	simm.s32 $0x5E80;
	[sflag:s3] =	ssyncadd.s32 $0xFFFFC180  }
0xb3: {  	[spmem:s4] =	stream.indirect.scatter.add.f32 [tilespmem:s29], [sflag:$0x9], $0x80, s19, s13, $0xb8;
	[tilespmem:$0x1E000] =	vst v63  }
0xb4: {  	_ =	swait.ge [sflag:s25], $0x3E80  }
0xb5: {  	[sflag:s25] =	ssyncset.done $0x0  }
0xb6: {  	[sflag:s25] =	ssyncadd.s32 $0xFFFFC180  }
0xb7: {  	_ =	swait.ge [sflag:s28], $0x3E80  }
0xb8: {  	[sflag:s28] =	ssyncset.done $0x0  }
0xb9: {  	s21 =	simm.s32 $0x5F00;
	[sflag:s28] =	ssyncadd.s32 $0xFFFFC180  }
0xba: {  	[spmem:s4] =	stream.indirect.scatter.add.f32 [tilespmem:s14], [sflag:$0x9], $0x80, s21, s13, $0xb8;
	[tilespmem:$0x1E000] =	vst v63  }
0xbb: {  	_ =	swait.ge [sflag:s25], $0x3E80  }
0xbc: {  	[sflag:s25] =	ssyncset.done $0x0  }
0xbd: {  	[sflag:s25] =	ssyncadd.s32 $0xFFFFC180  }
0xbe: {  	_ =	swait.ge [sflag:s30], $0x3E80  }
0xbf: {  	[sflag:s30] =	ssyncset.done $0x0  }
0xc0: {  	[sflag:s30] =	ssyncadd.s32 $0xFFFFC180  }
0xc1: {  	[spmem:s4] =	stream.indirect.scatter.add.f32 [tilespmem:s16], [sflag:$0x9], $0x80, s11, s13, $0xb8;
	[tilespmem:$0x1E000] =	vst v63  }
0xc2: {  	_ =	swait.ge [sflag:s25], $0x3E80  }
0xc3: {  	s15 =	sadd.s32 $0x1, s15;
	[sflag:s25] =	ssyncset.done $0x0  }
0xc4: {  	p0 =	sne.s32 s15, s9;
	[sflag:s25] =	ssyncadd.s32 $0xFFFFC180  }
.Ltmp1:
0xc5: {  	[bflag:$0x0] =	sbarrier.arrive $0xFFFF;
	(pc) =	sbr.rel @p0 .LBB2_1-.Ltmp1, $4  }
0xc6: {  	[hbm:s8], [sflag:s23] =	dma.local [spmem:s24], $0x200  }
0xc7: {  	_ =	swait.ge [sflag:s25], $0x200  }
0xc8: {  	[sflag:s25] =	ssyncset.done $0x0  }
0xc9: {  	[sflag:s25] =	ssyncadd.s32 $0xFFFFFE00  }
0xca: {  	_ =	sfence.sel $0x180000  }
0xcb: {  	[bflag:$0x0] =	sbarrier.arrive $0xFFFF  }
0xcc: {  	_ =	strace $0x90000047  }
0xcd: {  	s0 =	stileid.u32;
	[bflag:$0x2] =	sbarrier.arrive $0xFFFF  }
0xce: {  	p0 =	sne.s32 s0, $0x0;
	s0 =	rddreg [dreg:$0x4]  }
0xcf: {  	s0 =	sadd.s32 @!p0 $0x100000, s0  }
0xd0: {  	[sflag:s0] =	ssyncadd.tile.s32 @!p0 $0x1;
	_ =	shalt  }
.Lfunc_end2:
_tile_overlayer_lowered:
.L_overlay_start_2:
0xd1: {  	(tag) =	ssettag $0x2  }
0xd2: {  	s0 =	rddreg [dreg:$0x0];
	s2 =	stileid.u32  }
0xd3: {  	s1 =	rddreg [dreg:$0x1];
	p0 =	sne.s32 s2, $0x0  }
0xd4: {  	s3 =	rddreg [dreg:$0x2];
	[bflag:$0x3] =	sbarrier.arrive $0xFFFF;
	s2 =	simm.s32 @!p0 $0x1C09  }
0xd5: {  	[timem:s3], [sflag:s2] =	dma.local @!p0 [hbm:s0], s1  }
0xd6: {  	s0 =	simm.s32 @!p0 $0x9  }
0xd7: {  	_ =	swait.ge @!p0 [sflag:s0], s1  }
0xd8: {  	s1 =	ssub.s32 @!p0 $0x0, s1;
	[sflag:s0] =	ssyncset.done @!p0 $0x0  }
0xd9: {  	[sflag:s0] =	ssyncadd.s32 @!p0 s1  }
0xda: {  	[bflag:$0x3] =	sbarrier.arrive $0xFFFF  }
0xdb: {  	_ =	shalt  }

</sc_bundles>
